<compile_context>
chip_gen: v7x
topology: tpu7x:2x2x1
jax: 0.10.2.dev20260603
libtpu: 0.0.44.dev20260713+nightly
codegen_flags: <defaults>
</compile_context>

<pallas_src>
import functools

import jax
import jax.numpy as jnp
from jax import lax
from jax.experimental import pallas as pl
from jax.experimental.pallas import tpu as pltpu
from jax.experimental.pallas import tpu_sc as plsc

N = 10000
E = 320000
D = 128
NC, NS = 2, 16
CH = 128
NPAD = 10240
NCHW = 79
CHS = 64
NCHS = 158
EPAD = NC * NS * NCHW * CH
RPT = NPAD // NS
BN_EPS = 1e-5

_mesh = plsc.VectorSubcoreMesh(core_axis_name="c", subcore_axis_name="s")


@functools.partial(
    pl.kernel,
    out_type=jax.ShapeDtypeStruct((NC, NPAD), jnp.float32),
    mesh=_mesh,
    scratch_types=[
        pltpu.VMEM((NCHW * CH,), jnp.int32),
        pltpu.VMEM((CH,), jnp.float32),
        pltpu.VMEM_SHARED((NPAD,), jnp.float32),
        pltpu.SemaphoreType.DMA,
    ],
)
def _hist_kernel(dst_hbm, zeros_hbm, out_hbm, dst_v, ones_v, hist_s, hsem):
    c = lax.axis_index("c")
    s = lax.axis_index("s")
    pltpu.sync_copy(zeros_hbm.at[pl.ds(s * RPT, RPT)],
                    hist_s.at[pl.ds(s * RPT, RPT)])
    pltpu.sync_copy(dst_hbm.at[c * NS + s], dst_v)
    for r in range(CH // 16):
        ones_v[pl.ds(r * 16, 16)] = jnp.ones((16,), jnp.float32)
    plsc.subcore_barrier()

    def body(j, carry):
        pltpu.async_copy(ones_v, hist_s.at[dst_v.at[pl.ds(j * CH, CH)]],
                         hsem, add=True)

        @pl.when(j >= 8)
        def _():
            pltpu.make_async_copy(ones_v, hist_s.at[dst_v.at[pl.ds(0, CH)]],
                              hsem).wait()

        return carry

    lax.fori_loop(0, NCHW, body, 0)

    def drain(j, carry):
        pltpu.make_async_copy(ones_v, hist_s.at[dst_v.at[pl.ds(0, CH)]],
                              hsem).wait()
        return carry

    lax.fori_loop(0, 8, drain, 0)
    plsc.subcore_barrier()
    pltpu.sync_copy(hist_s.at[pl.ds(s * RPT, RPT)],
                    out_hbm.at[c].at[pl.ds(s * RPT, RPT)])


@functools.partial(
    pl.kernel,
    out_type=jax.ShapeDtypeStruct((NC, NPAD, D), jnp.float32),
    mesh=_mesh,
    scratch_types=[
        pltpu.VMEM((NCHS * CHS,), jnp.int32),
        pltpu.VMEM((NCHS * CHS,), jnp.int32),
        [pltpu.VMEM((CHS // 2, D), jnp.float32)] * 6,
        pltpu.VMEM_SHARED((NPAD, D), jnp.float32),
        [pltpu.SemaphoreType.DMA] * 6,
    ],
)
def _scatter_kernel(src_hbm, dst_hbm, y_hbm, zrows_hbm, out_hbm,
                    src_v, dst_v, bufs, acc_s, sems):
    c = lax.axis_index("c")
    s = lax.axis_index("s")
    w = c * NS + s

    @pl.when((c == 0) & (s < NS - 1))
    def _():
        pltpu.sync_copy(y_hbm.at[pl.ds(s * RPT, RPT)],
                        acc_s.at[pl.ds(s * RPT, RPT)])

    @pl.when((c == 0) & (s == NS - 1))
    def _():
        pltpu.sync_copy(y_hbm.at[pl.ds((NS - 1) * RPT, N - (NS - 1) * RPT)],
                        acc_s.at[pl.ds((NS - 1) * RPT, N - (NS - 1) * RPT)])
        pltpu.sync_copy(zrows_hbm.at[pl.ds(0, NPAD - N)],
                        acc_s.at[pl.ds(N, NPAD - N)])

    @pl.when(c == 1)
    def _():
        pltpu.sync_copy(zrows_hbm, acc_s.at[pl.ds(s * RPT, RPT)])

    pltpu.sync_copy(src_hbm.at[w], src_v)
    pltpu.sync_copy(dst_hbm.at[w], dst_v)
    plsc.subcore_barrier()

    HF = CHS // 2
    NQ = NCHS * 2
    NU = 6

    def srcs32(q):
        return src_v.at[pl.ds(q * HF, HF)]

    def start_unit(u, q):
        pltpu.async_copy(y_hbm.at[srcs32(q)], bufs[u], sems[u])

    def wait_unit(u):
        pltpu.make_async_copy(y_hbm.at[srcs32(0)], bufs[u], sems[u]).wait()

    def scat(u, q):
        pltpu.sync_copy(bufs[u], acc_s.at[dst_v.at[pl.ds(q * HF, HF)]],
                        add=True)

    for u in range(NU):
        start_unit(u, u)

    def body(p, carry):
        for u in range(NU):
            q = NU * p + u
            wait_unit(u)
            scat(u, q)

            @pl.when(q + NU < NQ)
            def _():
                start_unit(u, q + NU)

        return carry

    lax.fori_loop(0, NQ // NU, body, 0)
    for u in range(NQ % NU):
        wait_unit(u)
        scat(u, (NQ // NU) * NU + u)
    plsc.subcore_barrier()
    pltpu.sync_copy(acc_s.at[pl.ds(s * RPT, RPT)],
                    out_hbm.at[c, pl.ds(s * RPT, RPT)])


def _matmul_body(x_ref, w_ref, xw_ref):
    xw_ref[...] = jnp.dot(x_ref[...], w_ref[...],
                          preferred_element_type=jnp.float32)


def _scale_body(xw_ref, degp_ref, y_ref, dis_ref):
    deg = degp_ref[0] + degp_ref[1] + 1.0
    dis = lax.rsqrt(deg)
    dis_ref[...] = dis
    y_ref[...] = xw_ref[...] * dis[0:N]


def _final_body(s_ref, dis_ref, b_ref, g_ref, be_ref, o_ref):
    d = dis_ref[0:N]
    h = (s_ref[0, 0:N, :] + s_ref[1, 0:N, :]) * d + b_ref[...]
    mean = jnp.mean(h, axis=0, keepdims=True)
    ctr = h - mean
    var = jnp.mean(ctr * ctr, axis=0, keepdims=True)
    o = ctr * lax.rsqrt(var + BN_EPS) * g_ref[...] + be_ref[...]
    o_ref[...] = jnp.maximum(o, 0.0)


def kernel(x, adj_t, W, b, gamma, beta):
    src = adj_t[0].astype(jnp.int32)
    dst = adj_t[1].astype(jnp.int32)
    npad = EPAD - E
    k = jnp.arange(npad, dtype=jnp.int32)
    src_p = jnp.concatenate([src, src[:npad]])
    dst_p = jnp.concatenate([dst, N + k % (NPAD - N)])
    src4 = src_p.reshape(NC * NS, NCHS * CHS)
    dst4 = dst_p.reshape(NC * NS, NCHS * CHS)
    zflat = jnp.zeros((NPAD,), jnp.float32)
    zrows = jnp.zeros((RPT, D), jnp.float32)

    xw = pl.pallas_call(
        _matmul_body,
        out_shape=jax.ShapeDtypeStruct((N, D), jnp.float32),
    )(x, W.astype(jnp.float32))

    degp = _hist_kernel(dst4, zflat)
    degp = degp.reshape(NC, NPAD, 1)

    y, dis = pl.pallas_call(
        _scale_body,
        out_shape=[jax.ShapeDtypeStruct((N, D), jnp.float32),
                   jax.ShapeDtypeStruct((NPAD, 1), jnp.float32)],
    )(xw, degp)

    sacc = _scatter_kernel(src4, dst4, y, zrows)

    out = pl.pallas_call(
        _final_body,
        out_shape=jax.ShapeDtypeStruct((N, D), jnp.float32),
    )(sacc, dis,
      b.reshape(1, D), gamma.reshape(1, D), beta.reshape(1, D))
    return out

# --- scband reference (transcript-rebuilt; emitter-appended) ---
"""Pipeline reference for scband-gcnblock-70531952935093 (READ-ONLY COPY).

The authoritative reference and input builder live on the scoring server;
editing this copy changes nothing except your own understanding.
"""

import jax, jax.numpy as jnp
import numpy as np

N_NODES = 10000
N_EDGES = 320000
IN_DIM = 128
OUT_DIM = 128
BN_EPS = 1e-5


def setup_inputs(seed: int = 0) -> dict:
    key = jax.random.key(seed)
    k1, k2, k3, k4 = jax.random.split(key, 4)
    x = jax.random.normal(k1, (N_NODES, IN_DIM), dtype=jnp.float32)
    edge_index = jax.random.randint(k2, (2, N_EDGES), 0, N_NODES, dtype=jnp.int64)
    # GCNConv learned params (glorot-style init)
    W = jax.random.normal(k3, (IN_DIM, OUT_DIM), dtype=jnp.float32) * (1.0 / np.sqrt(IN_DIM))
    b = jnp.zeros((OUT_DIM,), dtype=jnp.float32)
    # BatchNorm1d learned params
    gamma = jnp.ones((OUT_DIM,), dtype=jnp.float32)
    beta = jnp.zeros((OUT_DIM,), dtype=jnp.float32)
    return {"x": x, "adj_t": edge_index, "W": W, "b": b, "gamma": gamma, "beta": beta}


def _gcn_conv(x, edge_index, W, b):
    # PyG GCNConv with add_self_loops=True, symmetric normalization
    N = x.shape[0]
    loop = jnp.arange(N, dtype=edge_index.dtype)
    src = jnp.concatenate([edge_index[0], loop])
    dst = jnp.concatenate([edge_index[1], loop])
    deg = jnp.zeros((N,), dtype=x.dtype).at[dst].add(1.0)
    deg_inv_sqrt = jnp.where(deg > 0, 1.0 / jnp.sqrt(deg), 0.0)
    norm = deg_inv_sqrt[src] * deg_inv_sqrt[dst]
    xw = x @ W
    msg = jnp.take(xw, src, axis=0) * norm[:, None]
    out = jnp.zeros((N, W.shape[1]), dtype=x.dtype).at[dst].add(msg)
    return out + b


def _batchnorm1d_train(h, gamma, beta):
    mean = jnp.mean(h, axis=0)
    var = jnp.var(h, axis=0)
    return (h - mean) / jnp.sqrt(var + BN_EPS) * gamma + beta


def reference(x, adj_t, W, b, gamma, beta):
    out = _gcn_conv(x, adj_t, W, b)
    out = _batchnorm1d_train(out, gamma, beta)
    out = jax.nn.relu(out)  # use_relu=True; use_dropout=False -> no dropout
    return out

if __name__ == "__main__":
    import jax
    _d = setup_inputs()
    print(jax.jit(kernel)(*tuple(_d.values())))

</pallas_src>

<mosaic_0001>
#map = affine_map<(d0, d1) -> (0, 0)>
#map1 = affine_map<(d0, d1) -> (0)>
module attributes {stable_mosaic.version = 14 : i64} {
  func.func @_hist_kernel(%arg0: i32, %arg1: i32, %arg2: memref<32x10112xi32, #tpu.memory_space<hbm>>, %arg3: memref<10240xf32, #tpu.memory_space<hbm>>, %arg4: memref<2x10240xf32, #tpu.memory_space<hbm>>, %arg5: memref<10112xi32, #tpu.memory_space<vmem>>, %arg6: memref<128xf32, #tpu.memory_space<vmem>>, %arg7: memref<10240xf32, #tpu.memory_space<vmem_shared>>, %arg8: memref<!tpu.dma_semaphore, #tpu.memory_space<semaphore_mem>>) attributes {dimension_semantics = [#tpu.dimension_semantics<core_parallel>, #tpu.dimension_semantics<subcore_parallel>], iteration_bounds = array<i64: 2, 16>, scalar_prefetch = 0 : i64, scratch_operands = 4 : i64, tpu.core_type = #tpu.core_type<sc_vector_subcore>, window_params = [{transform_indices = #map}, {transform_indices = #map1}, {transform_indices = #map}]} {
    %mul3A = arith.constant 640 : i32
    %mul3A_0 = arith.muli %arg1, %mul3A : i32
    %mul3A_1 = arith.constant 640 : i32
    %mul3A_2 = arith.muli %arg1, %mul3A_1 : i32
    "tpu.region"() ({
      %run_scoped3A = tpu.sem_alloc : memref<!tpu.dma_semaphore, #tpu.memory_space<semaphore_mem>>
      %dma_start3A = tpu.memref_slice %arg7[%mul3A_2] : memref<10240xf32, #tpu.memory_space<vmem_shared>> -> memref<640xf32, #tpu.memory_space<vmem_shared>>
      %dma_start3A_67 = tpu.memref_slice %arg3[%mul3A_0] : memref<10240xf32, #tpu.memory_space<hbm>> -> memref<640xf32, #tpu.memory_space<hbm>>
      tpu.enqueue_dma source(%dma_start3A_67 : memref<640xf32, #tpu.memory_space<hbm>>) target(%dma_start3A : memref<640xf32, #tpu.memory_space<vmem_shared>>) target_semaphore(%run_scoped3A : memref<!tpu.dma_semaphore, #tpu.memory_space<semaphore_mem>>)
      %dma_wait3A = tpu.memref_slice %arg7[%mul3A_2] : memref<10240xf32, #tpu.memory_space<vmem_shared>> -> memref<640xf32, #tpu.memory_space<vmem_shared>>
      %dma_wait3A_68 = tpu.memref_slice %arg3[%mul3A_0] : memref<10240xf32, #tpu.memory_space<hbm>> -> memref<640xf32, #tpu.memory_space<hbm>>
      tpu.wait_dma2 semaphore(%run_scoped3A : memref<!tpu.dma_semaphore, #tpu.memory_space<semaphore_mem>>) src(%dma_wait3A_68 : memref<640xf32, #tpu.memory_space<hbm>>) dst(%dma_wait3A : memref<640xf32, #tpu.memory_space<vmem_shared>>)
      tpu.yield
    }) : () -> ()
    %mul3A_3 = arith.constant 16 : i32
    %mul3A_4 = arith.muli %arg0, %mul3A_3 : i32
    %add3A = arith.addi %mul3A_4, %arg1 : i32
    "tpu.region"() ({
      %run_scoped3A = tpu.sem_alloc : memref<!tpu.dma_semaphore, #tpu.memory_space<semaphore_mem>>
      %dma_start3A = arith.constant 0 : i32
      %dma_start3A_67 = tpu.memref_slice %arg2[%add3A, %dma_start3A] : memref<32x10112xi32, #tpu.memory_space<hbm>> -> memref<1x10112xi32, #tpu.memory_space<hbm>>
      %dma_start3A_68 = tpu.memref_squeeze %dma_start3A_67 : memref<1x10112xi32, #tpu.memory_space<hbm>> -> memref<10112xi32, #tpu.memory_space<hbm>>
      %dma_start3A_69 = arith.constant 0 : i32
      %dma_start3A_70 = tpu.memref_slice %arg2[%add3A, %dma_start3A_69] : memref<32x10112xi32, #tpu.memory_space<hbm>> -> memref<1x10112xi32, #tpu.memory_space<hbm>>
      %dma_start3A_71 = tpu.memref_squeeze %dma_start3A_70 : memref<1x10112xi32, #tpu.memory_space<hbm>> -> memref<10112xi32, #tpu.memory_space<hbm>>
      tpu.enqueue_dma source(%dma_start3A_71 : memref<10112xi32, #tpu.memory_space<hbm>>) target(%arg5 : memref<10112xi32, #tpu.memory_space<vmem>>) target_semaphore(%run_scoped3A : memref<!tpu.dma_semaphore, #tpu.memory_space<semaphore_mem>>)
      %dma_wait3A = arith.constant 0 : i32
      %dma_wait3A_72 = tpu.memref_slice %arg2[%add3A, %dma_wait3A] : memref<32x10112xi32, #tpu.memory_space<hbm>> -> memref<1x10112xi32, #tpu.memory_space<hbm>>
      %dma_wait3A_73 = tpu.memref_squeeze %dma_wait3A_72 : memref<1x10112xi32, #tpu.memory_space<hbm>> -> memref<10112xi32, #tpu.memory_space<hbm>>
      %dma_wait3A_74 = arith.constant 0 : i32
      %dma_wait3A_75 = tpu.memref_slice %arg2[%add3A, %dma_wait3A_74] : memref<32x10112xi32, #tpu.memory_space<hbm>> -> memref<1x10112xi32, #tpu.memory_space<hbm>>
      %dma_wait3A_76 = tpu.memref_squeeze %dma_wait3A_75 : memref<1x10112xi32, #tpu.memory_space<hbm>> -> memref<10112xi32, #tpu.memory_space<hbm>>
      tpu.wait_dma2 semaphore(%run_scoped3A : memref<!tpu.dma_semaphore, #tpu.memory_space<semaphore_mem>>) src(%dma_wait3A_76 : memref<10112xi32, #tpu.memory_space<hbm>>) dst(%arg5 : memref<10112xi32, #tpu.memory_space<vmem>>)
      tpu.yield
    }) : () -> ()
    %broadcast_in_dim3A = arith.constant 1.000000e+00 : f32
    %broadcast_in_dim3A_5 = vector.broadcast %broadcast_in_dim3A : f32 to vector<16xf32>
    %swap3A = arith.constant 0 : index
    %swap3A_6 = tpu.vector_load %arg6[%swap3A] {strides = array<i32>} : memref<128xf32, #tpu.memory_space<vmem>>, vector<16xf32>,
    %swap3A_7 = vector.shape_cast %swap3A_6 : vector<16xf32> to vector<16xf32>
    %swap3A_8 = vector.shape_cast %broadcast_in_dim3A_5 : vector<16xf32> to vector<16xf32>
    tpu.vector_store %arg6[%swap3A], %swap3A_8 {strides = array<i32>} : memref<128xf32, #tpu.memory_space<vmem>>, vector<16xf32>,
    %broadcast_in_dim3A_9 = arith.constant 1.000000e+00 : f32
    %broadcast_in_dim3A_10 = vector.broadcast %broadcast_in_dim3A_9 : f32 to vector<16xf32>
    %swap3A_11 = arith.constant 16 : index
    %swap3A_12 = tpu.vector_load %arg6[%swap3A_11] {strides = array<i32>} : memref<128xf32, #tpu.memory_space<vmem>>, vector<16xf32>,
    %swap3A_13 = vector.shape_cast %swap3A_12 : vector<16xf32> to vector<16xf32>
    %swap3A_14 = vector.shape_cast %broadcast_in_dim3A_10 : vector<16xf32> to vector<16xf32>
    tpu.vector_store %arg6[%swap3A_11], %swap3A_14 {strides = array<i32>} : memref<128xf32, #tpu.memory_space<vmem>>, vector<16xf32>,
    %broadcast_in_dim3A_15 = arith.constant 1.000000e+00 : f32
    %broadcast_in_dim3A_16 = vector.broadcast %broadcast_in_dim3A_15 : f32 to vector<16xf32>
    %swap3A_17 = arith.constant 32 : index
    %swap3A_18 = tpu.vector_load %arg6[%swap3A_17] {strides = array<i32>} : memref<128xf32, #tpu.memory_space<vmem>>, vector<16xf32>,
    %swap3A_19 = vector.shape_cast %swap3A_18 : vector<16xf32> to vector<16xf32>
    %swap3A_20 = vector.shape_cast %broadcast_in_dim3A_16 : vector<16xf32> to vector<16xf32>
    tpu.vector_store %arg6[%swap3A_17], %swap3A_20 {strides = array<i32>} : memref<128xf32, #tpu.memory_space<vmem>>, vector<16xf32>,
    %broadcast_in_dim3A_21 = arith.constant 1.000000e+00 : f32
    %broadcast_in_dim3A_22 = vector.broadcast %broadcast_in_dim3A_21 : f32 to vector<16xf32>
    %swap3A_23 = arith.constant 48 : index
    %swap3A_24 = tpu.vector_load %arg6[%swap3A_23] {strides = array<i32>} : memref<128xf32, #tpu.memory_space<vmem>>, vector<16xf32>,
    %swap3A_25 = vector.shape_cast %swap3A_24 : vector<16xf32> to vector<16xf32>
    %swap3A_26 = vector.shape_cast %broadcast_in_dim3A_22 : vector<16xf32> to vector<16xf32>
    tpu.vector_store %arg6[%swap3A_23], %swap3A_26 {strides = array<i32>} : memref<128xf32, #tpu.memory_space<vmem>>, vector<16xf32>,
    %broadcast_in_dim3A_27 = arith.constant 1.000000e+00 : f32
    %broadcast_in_dim3A_28 = vector.broadcast %broadcast_in_dim3A_27 : f32 to vector<16xf32>
    %swap3A_29 = arith.constant 64 : index
    %swap3A_30 = tpu.vector_load %arg6[%swap3A_29] {strides = array<i32>} : memref<128xf32, #tpu.memory_space<vmem>>, vector<16xf32>,
    %swap3A_31 = vector.shape_cast %swap3A_30 : vector<16xf32> to vector<16xf32>
    %swap3A_32 = vector.shape_cast %broadcast_in_dim3A_28 : vector<16xf32> to vector<16xf32>
    tpu.vector_store %arg6[%swap3A_29], %swap3A_32 {strides = array<i32>} : memref<128xf32, #tpu.memory_space<vmem>>, vector<16xf32>,
    %broadcast_in_dim3A_33 = arith.constant 1.000000e+00 : f32
    %broadcast_in_dim3A_34 = vector.broadcast %broadcast_in_dim3A_33 : f32 to vector<16xf32>
    %swap3A_35 = arith.constant 80 : index
    %swap3A_36 = tpu.vector_load %arg6[%swap3A_35] {strides = array<i32>} : memref<128xf32, #tpu.memory_space<vmem>>, vector<16xf32>,
    %swap3A_37 = vector.shape_cast %swap3A_36 : vector<16xf32> to vector<16xf32>
    %swap3A_38 = vector.shape_cast %broadcast_in_dim3A_34 : vector<16xf32> to vector<16xf32>
    tpu.vector_store %arg6[%swap3A_35], %swap3A_38 {strides = array<i32>} : memref<128xf32, #tpu.memory_space<vmem>>, vector<16xf32>,
    %broadcast_in_dim3A_39 = arith.constant 1.000000e+00 : f32
    %broadcast_in_dim3A_40 = vector.broadcast %broadcast_in_dim3A_39 : f32 to vector<16xf32>
    %swap3A_41 = arith.constant 96 : index
    %swap3A_42 = tpu.vector_load %arg6[%swap3A_41] {strides = array<i32>} : memref<128xf32, #tpu.memory_space<vmem>>, vector<16xf32>,
    %swap3A_43 = vector.shape_cast %swap3A_42 : vector<16xf32> to vector<16xf32>
    %swap3A_44 = vector.shape_cast %broadcast_in_dim3A_40 : vector<16xf32> to vector<16xf32>
    tpu.vector_store %arg6[%swap3A_41], %swap3A_44 {strides = array<i32>} : memref<128xf32, #tpu.memory_space<vmem>>, vector<16xf32>,
    %broadcast_in_dim3A_45 = arith.constant 1.000000e+00 : f32
    %broadcast_in_dim3A_46 = vector.broadcast %broadcast_in_dim3A_45 : f32 to vector<16xf32>
    %swap3A_47 = arith.constant 112 : index
    %swap3A_48 = tpu.vector_load %arg6[%swap3A_47] {strides = array<i32>} : memref<128xf32, #tpu.memory_space<vmem>>, vector<16xf32>,
    %swap3A_49 = vector.shape_cast %swap3A_48 : vector<16xf32> to vector<16xf32>
    %swap3A_50 = vector.shape_cast %broadcast_in_dim3A_46 : vector<16xf32> to vector<16xf32>
    tpu.vector_store %arg6[%swap3A_47], %swap3A_50 {strides = array<i32>} : memref<128xf32, #tpu.memory_space<vmem>>, vector<16xf32>,
    %barrier3A = arith.constant 0 : index
    tpu.barrier barrier_id(%barrier3A)
    %scan3A = arith.constant 0 : i32
    %scan3A_51 = arith.constant 0 : i32
    %scan3A_52 = arith.constant 79 : i32
    %scan3A_53 = arith.addi %scan3A_51, %scan3A_52 : i32
    %scan3A_54 = arith.constant 1 : i32
    scf.for %scan3A_67 = %scan3A_51 to %scan3A_53 step %scan3A_54  : i32 {
      %mul3A_68 = arith.constant 128 : i32
      %mul3A_69 = arith.muli %scan3A_67, %mul3A_68 : i32
      %dma_start3A = tpu.memref_slice %arg5[%mul3A_69] : memref<10112xi32, #tpu.memory_space<vmem>> -> memref<128xi32, #tpu.memory_space<vmem>>
      %dma_start3A_70 = arith.constant 0 : i32
      %dma_start3A_71 = tpu.memref_slice %arg7[%dma_start3A_70] : memref<10240xf32, #tpu.memory_space<vmem_shared>> -> memref<10240xf32, #tpu.memory_space<vmem_shared>>
      tpu.enqueue_indirect_dma source(%arg6 : memref<128xf32, #tpu.memory_space<vmem>>) target(%dma_start3A_71 : memref<10240xf32, #tpu.memory_space<vmem_shared>>) offsets(%dma_start3A : memref<128xi32, #tpu.memory_space<vmem>>) semaphore(%arg8 : memref<!tpu.dma_semaphore, #tpu.memory_space<semaphore_mem>>) {add = true}
      %ge3A = arith.constant 8 : i32
      %ge3A_72 = arith.cmpi sge, %scan3A_67, %ge3A : i32
      %convert_element_type3A = arith.extui %ge3A_72 : i1 to i32
      %cond3A = arith.constant 0 : i32
      %cond3A_73 = arith.cmpi ne, %convert_element_type3A, %cond3A : i32
      scf.if %cond3A_73 {
        %dma_wait3A = arith.constant 0 : i32
        %dma_wait3A_74 = tpu.memref_slice %arg5[%dma_wait3A] : memref<10112xi32, #tpu.memory_space<vmem>> -> memref<128xi32, #tpu.memory_space<vmem>>
        %dma_wait3A_75 = arith.constant 0 : i32
        %dma_wait3A_76 = tpu.memref_slice %arg7[%dma_wait3A_75] : memref<10240xf32, #tpu.memory_space<vmem_shared>> -> memref<10240xf32, #tpu.memory_space<vmem_shared>>
        tpu.wait_indirect_dma semaphore(%arg8 : memref<!tpu.dma_semaphore, #tpu.memory_space<semaphore_mem>>) src(%arg6 : memref<128xf32, #tpu.memory_space<vmem>>) dst(%dma_wait3A_76 : memref<10240xf32, #tpu.memory_space<vmem_shared>>)
      } else {
      }
    }
    %scan3A_55 = arith.constant 79 : i32
    %scan3A_56 = arith.constant 0 : i32
    %scan3A_57 = arith.constant 0 : i32
    %scan3A_58 = arith.constant 8 : i32
    %scan3A_59 = arith.addi %scan3A_57, %scan3A_58 : i32
    %scan3A_60 = arith.constant 1 : i32
    scf.for %scan3A_67 = %scan3A_57 to %scan3A_59 step %scan3A_60  : i32 {
      %dma_wait3A = arith.constant 0 : i32
      %dma_wait3A_68 = tpu.memref_slice %arg5[%dma_wait3A] : memref<10112xi32, #tpu.memory_space<vmem>> -> memref<128xi32, #tpu.memory_space<vmem>>
      %dma_wait3A_69 = arith.constant 0 : i32
      %dma_wait3A_70 = tpu.memref_slice %arg7[%dma_wait3A_69] : memref<10240xf32, #tpu.memory_space<vmem_shared>> -> memref<10240xf32, #tpu.memory_space<vmem_shared>>
      tpu.wait_indirect_dma semaphore(%arg8 : memref<!tpu.dma_semaphore, #tpu.memory_space<semaphore_mem>>) src(%arg6 : memref<128xf32, #tpu.memory_space<vmem>>) dst(%dma_wait3A_70 : memref<10240xf32, #tpu.memory_space<vmem_shared>>)
    }
    %scan3A_61 = arith.constant 8 : i32
    %barrier3A_62 = arith.constant 0 : index
    tpu.barrier barrier_id(%barrier3A_62)
    %mul3A_63 = arith.constant 640 : i32
    %mul3A_64 = arith.muli %arg1, %mul3A_63 : i32
    %mul3A_65 = arith.constant 640 : i32
    %mul3A_66 = arith.muli %arg1, %mul3A_65 : i32
    "tpu.region"() ({
      %run_scoped3A = tpu.sem_alloc : memref<!tpu.dma_semaphore, #tpu.memory_space<semaphore_mem>>
      %dma_start3A = arith.constant 0 : i32
      %dma_start3A_67 = tpu.memref_slice %arg4[%arg0, %dma_start3A] : memref<2x10240xf32, #tpu.memory_space<hbm>> -> memref<1x10240xf32, #tpu.memory_space<hbm>>
      %dma_start3A_68 = tpu.memref_squeeze %dma_start3A_67 : memref<1x10240xf32, #tpu.memory_space<hbm>> -> memref<10240xf32, #tpu.memory_space<hbm>>
      %dma_start3A_69 = tpu.memref_slice %dma_start3A_68[%mul3A_66] : memref<10240xf32, #tpu.memory_space<hbm>> -> memref<640xf32, #tpu.memory_space<hbm>>
      %dma_start3A_70 = tpu.memref_slice %arg7[%mul3A_64] : memref<10240xf32, #tpu.memory_space<vmem_shared>> -> memref<640xf32, #tpu.memory_space<vmem_shared>>
      tpu.enqueue_dma source(%dma_start3A_70 : memref<640xf32, #tpu.memory_space<vmem_shared>>) target(%dma_start3A_69 : memref<640xf32, #tpu.memory_space<hbm>>) target_semaphore(%run_scoped3A : memref<!tpu.dma_semaphore, #tpu.memory_space<semaphore_mem>>)
      %dma_wait3A = arith.constant 0 : i32
      %dma_wait3A_71 = tpu.memref_slice %arg4[%arg0, %dma_wait3A] : memref<2x10240xf32, #tpu.memory_space<hbm>> -> memref<1x10240xf32, #tpu.memory_space<hbm>>
      %dma_wait3A_72 = tpu.memref_squeeze %dma_wait3A_71 : memref<1x10240xf32, #tpu.memory_space<hbm>> -> memref<10240xf32, #tpu.memory_space<hbm>>
      %dma_wait3A_73 = tpu.memref_slice %dma_wait3A_72[%mul3A_66] : memref<10240xf32, #tpu.memory_space<hbm>> -> memref<640xf32, #tpu.memory_space<hbm>>
      %dma_wait3A_74 = tpu.memref_slice %arg7[%mul3A_64] : memref<10240xf32, #tpu.memory_space<vmem_shared>> -> memref<640xf32, #tpu.memory_space<vmem_shared>>
      tpu.wait_dma2 semaphore(%run_scoped3A : memref<!tpu.dma_semaphore, #tpu.memory_space<semaphore_mem>>) src(%dma_wait3A_74 : memref<640xf32, #tpu.memory_space<vmem_shared>>) dst(%dma_wait3A_73 : memref<640xf32, #tpu.memory_space<hbm>>)
      tpu.yield
    }) : () -> ()
    return
  }
}

#map = affine_map<(d0, d1) -> (0, 0)>
#map1 = affine_map<(d0, d1) -> (0, 0, 0)>
module attributes {stable_mosaic.version = 14 : i64} {
  func.func @_scatter_kernel(%arg0: i32, %arg1: i32, %arg2: memref<32x10112xi32, #tpu.memory_space<hbm>>, %arg3: memref<32x10112xi32, #tpu.memory_space<hbm>>, %arg4: memref<10000x128xf32, #tpu.memory_space<hbm>>, %arg5: memref<640x128xf32, #tpu.memory_space<hbm>>, %arg6: memref<2x10240x128xf32, #tpu.memory_space<hbm>>, %arg7: memref<10112xi32, #tpu.memory_space<vmem>>, %arg8: memref<10112xi32, #tpu.memory_space<vmem>>, %arg9: memref<32x128xf32, #tpu.memory_space<vmem>>, %arg10: memref<32x128xf32, #tpu.memory_space<vmem>>, %arg11: memref<32x128xf32, #tpu.memory_space<vmem>>, %arg12: memref<32x128xf32, #tpu.memory_space<vmem>>, %arg13: memref<32x128xf32, #tpu.memory_space<vmem>>, %arg14: memref<32x128xf32, #tpu.memory_space<vmem>>, %arg15: memref<10240x128xf32, #tpu.memory_space<vmem_shared>>, %arg16: memref<!tpu.dma_semaphore, #tpu.memory_space<semaphore_mem>>, %arg17: memref<!tpu.dma_semaphore, #tpu.memory_space<semaphore_mem>>, %arg18: memref<!tpu.dma_semaphore, #tpu.memory_space<semaphore_mem>>, %arg19: memref<!tpu.dma_semaphore, #tpu.memory_space<semaphore_mem>>, %arg20: memref<!tpu.dma_semaphore, #tpu.memory_space<semaphore_mem>>, %arg21: memref<!tpu.dma_semaphore, #tpu.memory_space<semaphore_mem>>) attributes {dimension_semantics = [#tpu.dimension_semantics<core_parallel>, #tpu.dimension_semantics<subcore_parallel>], iteration_bounds = array<i64: 2, 16>, scalar_prefetch = 0 : i64, scratch_operands = 15 : i64, tpu.core_type = #tpu.core_type<sc_vector_subcore>, window_params = [{transform_indices = #map}, {transform_indices = #map}, {transform_indices = #map}, {transform_indices = #map}, {transform_indices = #map1}]} {
    %mul3A = arith.constant 16 : i32
    %mul3A_0 = arith.muli %arg0, %mul3A : i32
    %add3A = arith.addi %mul3A_0, %arg1 : i32
    %eq3A = arith.constant 0 : i32
    %eq3A_1 = arith.cmpi eq, %arg0, %eq3A : i32
    %lt3A = arith.constant 15 : i32
    %lt3A_2 = arith.cmpi slt, %arg1, %lt3A : i32
    %and3A = arith.andi %eq3A_1, %lt3A_2 : i1
    %convert_element_type3A = arith.extui %and3A : i1 to i32
    %cond3A = arith.constant 0 : i32
    %cond3A_3 = arith.cmpi ne, %convert_element_type3A, %cond3A : i32
    scf.if %cond3A_3 {
      %mul3A_75 = arith.constant 640 : i32
      %mul3A_76 = arith.muli %arg1, %mul3A_75 : i32
      %mul3A_77 = arith.constant 640 : i32
      %mul3A_78 = arith.muli %arg1, %mul3A_77 : i32
      "tpu.region"() ({
        %run_scoped3A = tpu.sem_alloc : memref<!tpu.dma_semaphore, #tpu.memory_space<semaphore_mem>>
        %dma_start3A_79 = arith.constant 0 : i32
        %dma_start3A_80 = tpu.memref_slice %arg15[%mul3A_78, %dma_start3A_79] : memref<10240x128xf32, #tpu.memory_space<vmem_shared>> -> memref<640x128xf32, #tpu.memory_space<vmem_shared>>
        %dma_start3A_81 = arith.constant 0 : i32
        %dma_start3A_82 = tpu.memref_slice %arg4[%mul3A_76, %dma_start3A_81] : memref<10000x128xf32, #tpu.memory_space<hbm>> -> memref<640x128xf32, #tpu.memory_space<hbm>>
        tpu.enqueue_dma source(%dma_start3A_82 : memref<640x128xf32, #tpu.memory_space<hbm>>) target(%dma_start3A_80 : memref<640x128xf32, #tpu.memory_space<vmem_shared>>) target_semaphore(%run_scoped3A : memref<!tpu.dma_semaphore, #tpu.memory_space<semaphore_mem>>)
        %dma_wait3A_83 = arith.constant 0 : i32
        %dma_wait3A_84 = tpu.memref_slice %arg15[%mul3A_78, %dma_wait3A_83] : memref<10240x128xf32, #tpu.memory_space<vmem_shared>> -> memref<640x128xf32, #tpu.memory_space<vmem_shared>>
        %dma_wait3A_85 = arith.constant 0 : i32
        %dma_wait3A_86 = tpu.memref_slice %arg4[%mul3A_76, %dma_wait3A_85] : memref<10000x128xf32, #tpu.memory_space<hbm>> -> memref<640x128xf32, #tpu.memory_space<hbm>>
        tpu.wait_dma2 semaphore(%run_scoped3A : memref<!tpu.dma_semaphore, #tpu.memory_space<semaphore_mem>>) src(%dma_wait3A_86 : memref<640x128xf32, #tpu.memory_space<hbm>>) dst(%dma_wait3A_84 : memref<640x128xf32, #tpu.memory_space<vmem_shared>>)
        tpu.yield
      }) : () -> ()
    } else {
    }
    %eq3A_4 = arith.constant 0 : i32
    %eq3A_5 = arith.cmpi eq, %arg0, %eq3A_4 : i32
    %eq3A_6 = arith.constant 15 : i32
    %eq3A_7 = arith.cmpi eq, %arg1, %eq3A_6 : i32
    %and3A_8 = arith.andi %eq3A_5, %eq3A_7 : i1
    %convert_element_type3A_9 = arith.extui %and3A_8 : i1 to i32
    %cond3A_10 = arith.constant 0 : i32
    %cond3A_11 = arith.cmpi ne, %convert_element_type3A_9, %cond3A_10 : i32
    scf.if %cond3A_11 {
      "tpu.region"() ({
        %run_scoped3A = tpu.sem_alloc : memref<!tpu.dma_semaphore, #tpu.memory_space<semaphore_mem>>
        %dma_start3A_75 = arith.constant 9600 : i32
        %dma_start3A_76 = arith.constant 0 : i32
        %dma_start3A_77 = tpu.memref_slice %arg15[%dma_start3A_75, %dma_start3A_76] : memref<10240x128xf32, #tpu.memory_space<vmem_shared>> -> memref<400x128xf32, #tpu.memory_space<vmem_shared>>
        %dma_start3A_78 = arith.constant 9600 : i32
        %dma_start3A_79 = arith.constant 0 : i32
        %dma_start3A_80 = tpu.memref_slice %arg4[%dma_start3A_78, %dma_start3A_79] : memref<10000x128xf32, #tpu.memory_space<hbm>> -> memref<400x128xf32, #tpu.memory_space<hbm>>
        tpu.enqueue_dma source(%dma_start3A_80 : memref<400x128xf32, #tpu.memory_space<hbm>>) target(%dma_start3A_77 : memref<400x128xf32, #tpu.memory_space<vmem_shared>>) target_semaphore(%run_scoped3A : memref<!tpu.dma_semaphore, #tpu.memory_space<semaphore_mem>>)
        %dma_wait3A_81 = arith.constant 9600 : i32
        %dma_wait3A_82 = arith.constant 0 : i32
        %dma_wait3A_83 = tpu.memref_slice %arg15[%dma_wait3A_81, %dma_wait3A_82] : memref<10240x128xf32, #tpu.memory_space<vmem_shared>> -> memref<400x128xf32, #tpu.memory_space<vmem_shared>>
        %dma_wait3A_84 = arith.constant 9600 : i32
        %dma_wait3A_85 = arith.constant 0 : i32
        %dma_wait3A_86 = tpu.memref_slice %arg4[%dma_wait3A_84, %dma_wait3A_85] : memref<10000x128xf32, #tpu.memory_space<hbm>> -> memref<400x128xf32, #tpu.memory_space<hbm>>
        tpu.wait_dma2 semaphore(%run_scoped3A : memref<!tpu.dma_semaphore, #tpu.memory_space<semaphore_mem>>) src(%dma_wait3A_86 : memref<400x128xf32, #tpu.memory_space<hbm>>) dst(%dma_wait3A_83 : memref<400x128xf32, #tpu.memory_space<vmem_shared>>)
        tpu.yield
      }) : () -> ()
      "tpu.region"() ({
        %run_scoped3A = tpu.sem_alloc : memref<!tpu.dma_semaphore, #tpu.memory_space<semaphore_mem>>
        %dma_start3A_75 = arith.constant 10000 : i32
        %dma_start3A_76 = arith.constant 0 : i32
        %dma_start3A_77 = tpu.memref_slice %arg15[%dma_start3A_75, %dma_start3A_76] : memref<10240x128xf32, #tpu.memory_space<vmem_shared>> -> memref<240x128xf32, #tpu.memory_space<vmem_shared>>
        %dma_start3A_78 = arith.constant 0 : i32
        %dma_start3A_79 = arith.constant 0 : i32
        %dma_start3A_80 = tpu.memref_slice %arg5[%dma_start3A_78, %dma_start3A_79] : memref<640x128xf32, #tpu.memory_space<hbm>> -> memref<240x128xf32, #tpu.memory_space<hbm>>
        tpu.enqueue_dma source(%dma_start3A_80 : memref<240x128xf32, #tpu.memory_space<hbm>>) target(%dma_start3A_77 : memref<240x128xf32, #tpu.memory_space<vmem_shared>>) target_semaphore(%run_scoped3A : memref<!tpu.dma_semaphore, #tpu.memory_space<semaphore_mem>>)
        %dma_wait3A_81 = arith.constant 10000 : i32
        %dma_wait3A_82 = arith.constant 0 : i32
        %dma_wait3A_83 = tpu.memref_slice %arg15[%dma_wait3A_81, %dma_wait3A_82] : memref<10240x128xf32, #tpu.memory_space<vmem_shared>> -> memref<240x128xf32, #tpu.memory_space<vmem_shared>>
        %dma_wait3A_84 = arith.constant 0 : i32
        %dma_wait3A_85 = arith.constant 0 : i32
        %dma_wait3A_86 = tpu.memref_slice %arg5[%dma_wait3A_84, %dma_wait3A_85] : memref<640x128xf32, #tpu.memory_space<hbm>> -> memref<240x128xf32, #tpu.memory_space<hbm>>
        tpu.wait_dma2 semaphore(%run_scoped3A : memref<!tpu.dma_semaphore, #tpu.memory_space<semaphore_mem>>) src(%dma_wait3A_86 : memref<240x128xf32, #tpu.memory_space<hbm>>) dst(%dma_wait3A_83 : memref<240x128xf32, #tpu.memory_space<vmem_shared>>)
        tpu.yield
      }) : () -> ()
    } else {
    }
    %eq3A_12 = arith.constant 1 : i32
    %eq3A_13 = arith.cmpi eq, %arg0, %eq3A_12 : i32
    %convert_element_type3A_14 = arith.extui %eq3A_13 : i1 to i32
    %cond3A_15 = arith.constant 0 : i32
    %cond3A_16 = arith.cmpi ne, %convert_element_type3A_14, %cond3A_15 : i32
    scf.if %cond3A_16 {
      %mul3A_75 = arith.constant 640 : i32
      %mul3A_76 = arith.muli %arg1, %mul3A_75 : i32
      "tpu.region"() ({
        %run_scoped3A = tpu.sem_alloc : memref<!tpu.dma_semaphore, #tpu.memory_space<semaphore_mem>>
        %dma_start3A_77 = arith.constant 0 : i32
        %dma_start3A_78 = tpu.memref_slice %arg15[%mul3A_76, %dma_start3A_77] : memref<10240x128xf32, #tpu.memory_space<vmem_shared>> -> memref<640x128xf32, #tpu.memory_space<vmem_shared>>
        tpu.enqueue_dma source(%arg5 : memref<640x128xf32, #tpu.memory_space<hbm>>) target(%dma_start3A_78 : memref<640x128xf32, #tpu.memory_space<vmem_shared>>) target_semaphore(%run_scoped3A : memref<!tpu.dma_semaphore, #tpu.memory_space<semaphore_mem>>)
        %dma_wait3A_79 = arith.constant 0 : i32
        %dma_wait3A_80 = tpu.memref_slice %arg15[%mul3A_76, %dma_wait3A_79] : memref<10240x128xf32, #tpu.memory_space<vmem_shared>> -> memref<640x128xf32, #tpu.memory_space<vmem_shared>>
        tpu.wait_dma2 semaphore(%run_scoped3A : memref<!tpu.dma_semaphore, #tpu.memory_space<semaphore_mem>>) src(%arg5 : memref<640x128xf32, #tpu.memory_space<hbm>>) dst(%dma_wait3A_80 : memref<640x128xf32, #tpu.memory_space<vmem_shared>>)
        tpu.yield
      }) : () -> ()
    } else {
    }
    "tpu.region"() ({
      %run_scoped3A = tpu.sem_alloc : memref<!tpu.dma_semaphore, #tpu.memory_space<semaphore_mem>>
      %dma_start3A_75 = arith.constant 0 : i32
      %dma_start3A_76 = tpu.memref_slice %arg2[%add3A, %dma_start3A_75] : memref<32x10112xi32, #tpu.memory_space<hbm>> -> memref<1x10112xi32, #tpu.memory_space<hbm>>
      %dma_start3A_77 = tpu.memref_squeeze %dma_start3A_76 : memref<1x10112xi32, #tpu.memory_space<hbm>> -> memref<10112xi32, #tpu.memory_space<hbm>>
      %dma_start3A_78 = arith.constant 0 : i32
      %dma_start3A_79 = tpu.memref_slice %arg2[%add3A, %dma_start3A_78] : memref<32x10112xi32, #tpu.memory_space<hbm>> -> memref<1x10112xi32, #tpu.memory_space<hbm>>
      %dma_start3A_80 = tpu.memref_squeeze %dma_start3A_79 : memref<1x10112xi32, #tpu.memory_space<hbm>> -> memref<10112xi32, #tpu.memory_space<hbm>>
      tpu.enqueue_dma source(%dma_start3A_80 : memref<10112xi32, #tpu.memory_space<hbm>>) target(%arg7 : memref<10112xi32, #tpu.memory_space<vmem>>) target_semaphore(%run_scoped3A : memref<!tpu.dma_semaphore, #tpu.memory_space<semaphore_mem>>)
      %dma_wait3A_81 = arith.constant 0 : i32
      %dma_wait3A_82 = tpu.memref_slice %arg2[%add3A, %dma_wait3A_81] : memref<32x10112xi32, #tpu.memory_space<hbm>> -> memref<1x10112xi32, #tpu.memory_space<hbm>>
      %dma_wait3A_83 = tpu.memref_squeeze %dma_wait3A_82 : memref<1x10112xi32, #tpu.memory_space<hbm>> -> memref<10112xi32, #tpu.memory_space<hbm>>
      %dma_wait3A_84 = arith.constant 0 : i32
      %dma_wait3A_85 = tpu.memref_slice %arg2[%add3A, %dma_wait3A_84] : memref<32x10112xi32, #tpu.memory_space<hbm>> -> memref<1x10112xi32, #tpu.memory_space<hbm>>
      %dma_wait3A_86 = tpu.memref_squeeze %dma_wait3A_85 : memref<1x10112xi32, #tpu.memory_space<hbm>> -> memref<10112xi32, #tpu.memory_space<hbm>>
      tpu.wait_dma2 semaphore(%run_scoped3A : memref<!tpu.dma_semaphore, #tpu.memory_space<semaphore_mem>>) src(%dma_wait3A_86 : memref<10112xi32, #tpu.memory_space<hbm>>) dst(%arg7 : memref<10112xi32, #tpu.memory_space<vmem>>)
      tpu.yield
    }) : () -> ()
    "tpu.region"() ({
      %run_scoped3A = tpu.sem_alloc : memref<!tpu.dma_semaphore, #tpu.memory_space<semaphore_mem>>
      %dma_start3A_75 = arith.constant 0 : i32
      %dma_start3A_76 = tpu.memref_slice %arg3[%add3A, %dma_start3A_75] : memref<32x10112xi32, #tpu.memory_space<hbm>> -> memref<1x10112xi32, #tpu.memory_space<hbm>>
      %dma_start3A_77 = tpu.memref_squeeze %dma_start3A_76 : memref<1x10112xi32, #tpu.memory_space<hbm>> -> memref<10112xi32, #tpu.memory_space<hbm>>
      %dma_start3A_78 = arith.constant 0 : i32
      %dma_start3A_79 = tpu.memref_slice %arg3[%add3A, %dma_start3A_78] : memref<32x10112xi32, #tpu.memory_space<hbm>> -> memref<1x10112xi32, #tpu.memory_space<hbm>>
      %dma_start3A_80 = tpu.memref_squeeze %dma_start3A_79 : memref<1x10112xi32, #tpu.memory_space<hbm>> -> memref<10112xi32, #tpu.memory_space<hbm>>
      tpu.enqueue_dma source(%dma_start3A_80 : memref<10112xi32, #tpu.memory_space<hbm>>) target(%arg8 : memref<10112xi32, #tpu.memory_space<vmem>>) target_semaphore(%run_scoped3A : memref<!tpu.dma_semaphore, #tpu.memory_space<semaphore_mem>>)
      %dma_wait3A_81 = arith.constant 0 : i32
      %dma_wait3A_82 = tpu.memref_slice %arg3[%add3A, %dma_wait3A_81] : memref<32x10112xi32, #tpu.memory_space<hbm>> -> memref<1x10112xi32, #tpu.memory_space<hbm>>
      %dma_wait3A_83 = tpu.memref_squeeze %dma_wait3A_82 : memref<1x10112xi32, #tpu.memory_space<hbm>> -> memref<10112xi32, #tpu.memory_space<hbm>>
      %dma_wait3A_84 = arith.constant 0 : i32
      %dma_wait3A_85 = tpu.memref_slice %arg3[%add3A, %dma_wait3A_84] : memref<32x10112xi32, #tpu.memory_space<hbm>> -> memref<1x10112xi32, #tpu.memory_space<hbm>>
      %dma_wait3A_86 = tpu.memref_squeeze %dma_wait3A_85 : memref<1x10112xi32, #tpu.memory_space<hbm>> -> memref<10112xi32, #tpu.memory_space<hbm>>
      tpu.wait_dma2 semaphore(%run_scoped3A : memref<!tpu.dma_semaphore, #tpu.memory_space<semaphore_mem>>) src(%dma_wait3A_86 : memref<10112xi32, #tpu.memory_space<hbm>>) dst(%arg8 : memref<10112xi32, #tpu.memory_space<vmem>>)
      tpu.yield
    }) : () -> ()
    %barrier3A = arith.constant 0 : index
    tpu.barrier barrier_id(%barrier3A)
    %dma_start3A = arith.constant 0 : i32
    %dma_start3A_17 = tpu.memref_slice %arg7[%dma_start3A] : memref<10112xi32, #tpu.memory_space<vmem>> -> memref<32xi32, #tpu.memory_space<vmem>>
    %dma_start3A_18 = arith.constant 0 : i32
    %dma_start3A_19 = arith.constant 0 : i32
    %dma_start3A_20 = tpu.memref_slice %arg4[%dma_start3A_18, %dma_start3A_19] : memref<10000x128xf32, #tpu.memory_space<hbm>> -> memref<10000x128xf32, #tpu.memory_space<hbm>>
    tpu.enqueue_indirect_dma source(%dma_start3A_20 : memref<10000x128xf32, #tpu.memory_space<hbm>>) target(%arg9 : memref<32x128xf32, #tpu.memory_space<vmem>>) offsets(%dma_start3A_17 : memref<32xi32, #tpu.memory_space<vmem>>) semaphore(%arg16 : memref<!tpu.dma_semaphore, #tpu.memory_space<semaphore_mem>>)
    %dma_start3A_21 = arith.constant 32 : i32
    %dma_start3A_22 = tpu.memref_slice %arg7[%dma_start3A_21] : memref<10112xi32, #tpu.memory_space<vmem>> -> memref<32xi32, #tpu.memory_space<vmem>>
    %dma_start3A_23 = arith.constant 0 : i32
    %dma_start3A_24 = arith.constant 0 : i32
    %dma_start3A_25 = tpu.memref_slice %arg4[%dma_start3A_23, %dma_start3A_24] : memref<10000x128xf32, #tpu.memory_space<hbm>> -> memref<10000x128xf32, #tpu.memory_space<hbm>>
    tpu.enqueue_indirect_dma source(%dma_start3A_25 : memref<10000x128xf32, #tpu.memory_space<hbm>>) target(%arg10 : memref<32x128xf32, #tpu.memory_space<vmem>>) offsets(%dma_start3A_22 : memref<32xi32, #tpu.memory_space<vmem>>) semaphore(%arg17 : memref<!tpu.dma_semaphore, #tpu.memory_space<semaphore_mem>>)
    %dma_start3A_26 = arith.constant 64 : i32
    %dma_start3A_27 = tpu.memref_slice %arg7[%dma_start3A_26] : memref<10112xi32, #tpu.memory_space<vmem>> -> memref<32xi32, #tpu.memory_space<vmem>>
    %dma_start3A_28 = arith.constant 0 : i32
    %dma_start3A_29 = arith.constant 0 : i32
    %dma_start3A_30 = tpu.memref_slice %arg4[%dma_start3A_28, %dma_start3A_29] : memref<10000x128xf32, #tpu.memory_space<hbm>> -> memref<10000x128xf32, #tpu.memory_space<hbm>>
    tpu.enqueue_indirect_dma source(%dma_start3A_30 : memref<10000x128xf32, #tpu.memory_space<hbm>>) target(%arg11 : memref<32x128xf32, #tpu.memory_space<vmem>>) offsets(%dma_start3A_27 : memref<32xi32, #tpu.memory_space<vmem>>) semaphore(%arg18 : memref<!tpu.dma_semaphore, #tpu.memory_space<semaphore_mem>>)
    %dma_start3A_31 = arith.constant 96 : i32
    %dma_start3A_32 = tpu.memref_slice %arg7[%dma_start3A_31] : memref<10112xi32, #tpu.memory_space<vmem>> -> memref<32xi32, #tpu.memory_space<vmem>>
    %dma_start3A_33 = arith.constant 0 : i32
    %dma_start3A_34 = arith.constant 0 : i32
    %dma_start3A_35 = tpu.memref_slice %arg4[%dma_start3A_33, %dma_start3A_34] : memref<10000x128xf32, #tpu.memory_space<hbm>> -> memref<10000x128xf32, #tpu.memory_space<hbm>>
    tpu.enqueue_indirect_dma source(%dma_start3A_35 : memref<10000x128xf32, #tpu.memory_space<hbm>>) target(%arg12 : memref<32x128xf32, #tpu.memory_space<vmem>>) offsets(%dma_start3A_32 : memref<32xi32, #tpu.memory_space<vmem>>) semaphore(%arg19 : memref<!tpu.dma_semaphore, #tpu.memory_space<semaphore_mem>>)
    %dma_start3A_36 = arith.constant 128 : i32
    %dma_start3A_37 = tpu.memref_slice %arg7[%dma_start3A_36] : memref<10112xi32, #tpu.memory_space<vmem>> -> memref<32xi32, #tpu.memory_space<vmem>>
    %dma_start3A_38 = arith.constant 0 : i32
    %dma_start3A_39 = arith.constant 0 : i32
    %dma_start3A_40 = tpu.memref_slice %arg4[%dma_start3A_38, %dma_start3A_39] : memref<10000x128xf32, #tpu.memory_space<hbm>> -> memref<10000x128xf32, #tpu.memory_space<hbm>>
    tpu.enqueue_indirect_dma source(%dma_start3A_40 : memref<10000x128xf32, #tpu.memory_space<hbm>>) target(%arg13 : memref<32x128xf32, #tpu.memory_space<vmem>>) offsets(%dma_start3A_37 : memref<32xi32, #tpu.memory_space<vmem>>) semaphore(%arg20 : memref<!tpu.dma_semaphore, #tpu.memory_space<semaphore_mem>>)
    %dma_start3A_41 = arith.constant 160 : i32
    %dma_start3A_42 = tpu.memref_slice %arg7[%dma_start3A_41] : memref<10112xi32, #tpu.memory_space<vmem>> -> memref<32xi32, #tpu.memory_space<vmem>>
    %dma_start3A_43 = arith.constant 0 : i32
    %dma_start3A_44 = arith.constant 0 : i32
    %dma_start3A_45 = tpu.memref_slice %arg4[%dma_start3A_43, %dma_start3A_44] : memref<10000x128xf32, #tpu.memory_space<hbm>> -> memref<10000x128xf32, #tpu.memory_space<hbm>>
    tpu.enqueue_indirect_dma source(%dma_start3A_45 : memref<10000x128xf32, #tpu.memory_space<hbm>>) target(%arg14 : memref<32x128xf32, #tpu.memory_space<vmem>>) offsets(%dma_start3A_42 : memref<32xi32, #tpu.memory_space<vmem>>) semaphore(%arg21 : memref<!tpu.dma_semaphore, #tpu.memory_space<semaphore_mem>>)
    %scan3A = arith.constant 0 : i32
    %scan3A_46 = arith.constant 0 : i32
    %scan3A_47 = arith.constant 52 : i32
    %scan3A_48 = arith.addi %scan3A_46, %scan3A_47 : i32
    %scan3A_49 = arith.constant 1 : i32
    scf.for %scan3A_75 = %scan3A_46 to %scan3A_48 step %scan3A_49  : i32 {
      %mul3A_76 = arith.constant 6 : i32
      %mul3A_77 = arith.muli %mul3A_76, %scan3A_75 : i32
      %add3A_78 = arith.constant 0 : i32
      %add3A_79 = arith.addi %mul3A_77, %add3A_78 : i32
      %dma_wait3A_80 = arith.constant 0 : i32
      %dma_wait3A_81 = tpu.memref_slice %arg7[%dma_wait3A_80] : memref<10112xi32, #tpu.memory_space<vmem>> -> memref<32xi32, #tpu.memory_space<vmem>>
      %dma_wait3A_82 = arith.constant 0 : i32
      %dma_wait3A_83 = arith.constant 0 : i32
      %dma_wait3A_84 = tpu.memref_slice %arg4[%dma_wait3A_82, %dma_wait3A_83] : memref<10000x128xf32, #tpu.memory_space<hbm>> -> memref<10000x128xf32, #tpu.memory_space<hbm>>
      tpu.wait_indirect_dma semaphore(%arg16 : memref<!tpu.dma_semaphore, #tpu.memory_space<semaphore_mem>>) src(%dma_wait3A_84 : memref<10000x128xf32, #tpu.memory_space<hbm>>) dst(%arg9 : memref<32x128xf32, #tpu.memory_space<vmem>>)
      %mul3A_85 = arith.constant 32 : i32
      %mul3A_86 = arith.muli %add3A_79, %mul3A_85 : i32
      "tpu.region"() ({
        %run_scoped3A = tpu.sem_alloc : memref<!tpu.dma_semaphore, #tpu.memory_space<semaphore_mem>>
        %dma_start3A_184 = tpu.memref_slice %arg8[%mul3A_86] : memref<10112xi32, #tpu.memory_space<vmem>> -> memref<32xi32, #tpu.memory_space<vmem>>
        %dma_start3A_185 = arith.constant 0 : i32
        %dma_start3A_186 = arith.constant 0 : i32
        %dma_start3A_187 = tpu.memref_slice %arg15[%dma_start3A_185, %dma_start3A_186] : memref<10240x128xf32, #tpu.memory_space<vmem_shared>> -> memref<10240x128xf32, #tpu.memory_space<vmem_shared>>
        tpu.enqueue_indirect_dma source(%arg9 : memref<32x128xf32, #tpu.memory_space<vmem>>) target(%dma_start3A_187 : memref<10240x128xf32, #tpu.memory_space<vmem_shared>>) offsets(%dma_start3A_184 : memref<32xi32, #tpu.memory_space<vmem>>) semaphore(%run_scoped3A : memref<!tpu.dma_semaphore, #tpu.memory_space<semaphore_mem>>) {add = true}
        %dma_wait3A_188 = tpu.memref_slice %arg8[%mul3A_86] : memref<10112xi32, #tpu.memory_space<vmem>> -> memref<32xi32, #tpu.memory_space<vmem>>
        %dma_wait3A_189 = arith.constant 0 : i32
        %dma_wait3A_190 = arith.constant 0 : i32
        %dma_wait3A_191 = tpu.memref_slice %arg15[%dma_wait3A_189, %dma_wait3A_190] : memref<10240x128xf32, #tpu.memory_space<vmem_shared>> -> memref<10240x128xf32, #tpu.memory_space<vmem_shared>>
        tpu.wait_indirect_dma semaphore(%run_scoped3A : memref<!tpu.dma_semaphore, #tpu.memory_space<semaphore_mem>>) src(%arg9 : memref<32x128xf32, #tpu.memory_space<vmem>>) dst(%dma_wait3A_191 : memref<10240x128xf32, #tpu.memory_space<vmem_shared>>)
        tpu.yield
      }) : () -> ()
      %add3A_87 = arith.constant 6 : i32
      %add3A_88 = arith.addi %add3A_79, %add3A_87 : i32
      %lt3A_89 = arith.constant 316 : i32
      %lt3A_90 = arith.cmpi slt, %add3A_88, %lt3A_89 : i32
      %convert_element_type3A_91 = arith.extui %lt3A_90 : i1 to i32
      %cond3A_92 = arith.constant 0 : i32
      %cond3A_93 = arith.cmpi ne, %convert_element_type3A_91, %cond3A_92 : i32
      scf.if %cond3A_93 {
        %add3A_184 = arith.constant 6 : i32
        %add3A_185 = arith.addi %add3A_79, %add3A_184 : i32
        %mul3A_186 = arith.constant 32 : i32
        %mul3A_187 = arith.muli %add3A_185, %mul3A_186 : i32
        %dma_start3A_188 = tpu.memref_slice %arg7[%mul3A_187] : memref<10112xi32, #tpu.memory_space<vmem>> -> memref<32xi32, #tpu.memory_space<vmem>>
        %dma_start3A_189 = arith.constant 0 : i32
        %dma_start3A_190 = arith.constant 0 : i32
        %dma_start3A_191 = tpu.memref_slice %arg4[%dma_start3A_189, %dma_start3A_190] : memref<10000x128xf32, #tpu.memory_space<hbm>> -> memref<10000x128xf32, #tpu.memory_space<hbm>>
        tpu.enqueue_indirect_dma source(%dma_start3A_191 : memref<10000x128xf32, #tpu.memory_space<hbm>>) target(%arg9 : memref<32x128xf32, #tpu.memory_space<vmem>>) offsets(%dma_start3A_188 : memref<32xi32, #tpu.memory_space<vmem>>) semaphore(%arg16 : memref<!tpu.dma_semaphore, #tpu.memory_space<semaphore_mem>>)
      } else {
      }
      %mul3A_94 = arith.constant 6 : i32
      %mul3A_95 = arith.muli %mul3A_94, %scan3A_75 : i32
      %add3A_96 = arith.constant 1 : i32
      %add3A_97 = arith.addi %mul3A_95, %add3A_96 : i32
      %dma_wait3A_98 = arith.constant 0 : i32
      %dma_wait3A_99 = tpu.memref_slice %arg7[%dma_wait3A_98] : memref<10112xi32, #tpu.memory_space<vmem>> -> memref<32xi32, #tpu.memory_space<vmem>>
      %dma_wait3A_100 = arith.constant 0 : i32
      %dma_wait3A_101 = arith.constant 0 : i32
      %dma_wait3A_102 = tpu.memref_slice %arg4[%dma_wait3A_100, %dma_wait3A_101] : memref<10000x128xf32, #tpu.memory_space<hbm>> -> memref<10000x128xf32, #tpu.memory_space<hbm>>
      tpu.wait_indirect_dma semaphore(%arg17 : memref<!tpu.dma_semaphore, #tpu.memory_space<semaphore_mem>>) src(%dma_wait3A_102 : memref<10000x128xf32, #tpu.memory_space<hbm>>) dst(%arg10 : memref<32x128xf32, #tpu.memory_space<vmem>>)
      %mul3A_103 = arith.constant 32 : i32
      %mul3A_104 = arith.muli %add3A_97, %mul3A_103 : i32
      "tpu.region"() ({
        %run_scoped3A = tpu.sem_alloc : memref<!tpu.dma_semaphore, #tpu.memory_space<semaphore_mem>>
        %dma_start3A_184 = tpu.memref_slice %arg8[%mul3A_104] : memref<10112xi32, #tpu.memory_space<vmem>> -> memref<32xi32, #tpu.memory_space<vmem>>
        %dma_start3A_185 = arith.constant 0 : i32
        %dma_start3A_186 = arith.constant 0 : i32
        %dma_start3A_187 = tpu.memref_slice %arg15[%dma_start3A_185, %dma_start3A_186] : memref<10240x128xf32, #tpu.memory_space<vmem_shared>> -> memref<10240x128xf32, #tpu.memory_space<vmem_shared>>
        tpu.enqueue_indirect_dma source(%arg10 : memref<32x128xf32, #tpu.memory_space<vmem>>) target(%dma_start3A_187 : memref<10240x128xf32, #tpu.memory_space<vmem_shared>>) offsets(%dma_start3A_184 : memref<32xi32, #tpu.memory_space<vmem>>) semaphore(%run_scoped3A : memref<!tpu.dma_semaphore, #tpu.memory_space<semaphore_mem>>) {add = true}
        %dma_wait3A_188 = tpu.memref_slice %arg8[%mul3A_104] : memref<10112xi32, #tpu.memory_space<vmem>> -> memref<32xi32, #tpu.memory_space<vmem>>
        %dma_wait3A_189 = arith.constant 0 : i32
        %dma_wait3A_190 = arith.constant 0 : i32
        %dma_wait3A_191 = tpu.memref_slice %arg15[%dma_wait3A_189, %dma_wait3A_190] : memref<10240x128xf32, #tpu.memory_space<vmem_shared>> -> memref<10240x128xf32, #tpu.memory_space<vmem_shared>>
        tpu.wait_indirect_dma semaphore(%run_scoped3A : memref<!tpu.dma_semaphore, #tpu.memory_space<semaphore_mem>>) src(%arg10 : memref<32x128xf32, #tpu.memory_space<vmem>>) dst(%dma_wait3A_191 : memref<10240x128xf32, #tpu.memory_space<vmem_shared>>)
        tpu.yield
      }) : () -> ()
      %add3A_105 = arith.constant 6 : i32
      %add3A_106 = arith.addi %add3A_97, %add3A_105 : i32
      %lt3A_107 = arith.constant 316 : i32
      %lt3A_108 = arith.cmpi slt, %add3A_106, %lt3A_107 : i32
      %convert_element_type3A_109 = arith.extui %lt3A_108 : i1 to i32
      %cond3A_110 = arith.constant 0 : i32
      %cond3A_111 = arith.cmpi ne, %convert_element_type3A_109, %cond3A_110 : i32
      scf.if %cond3A_111 {
        %add3A_184 = arith.constant 6 : i32
        %add3A_185 = arith.addi %add3A_97, %add3A_184 : i32
        %mul3A_186 = arith.constant 32 : i32
        %mul3A_187 = arith.muli %add3A_185, %mul3A_186 : i32
        %dma_start3A_188 = tpu.memref_slice %arg7[%mul3A_187] : memref<10112xi32, #tpu.memory_space<vmem>> -> memref<32xi32, #tpu.memory_space<vmem>>
        %dma_start3A_189 = arith.constant 0 : i32
        %dma_start3A_190 = arith.constant 0 : i32
        %dma_start3A_191 = tpu.memref_slice %arg4[%dma_start3A_189, %dma_start3A_190] : memref<10000x128xf32, #tpu.memory_space<hbm>> -> memref<10000x128xf32, #tpu.memory_space<hbm>>
        tpu.enqueue_indirect_dma source(%dma_start3A_191 : memref<10000x128xf32, #tpu.memory_space<hbm>>) target(%arg10 : memref<32x128xf32, #tpu.memory_space<vmem>>) offsets(%dma_start3A_188 : memref<32xi32, #tpu.memory_space<vmem>>) semaphore(%arg17 : memref<!tpu.dma_semaphore, #tpu.memory_space<semaphore_mem>>)
      } else {
      }
      %mul3A_112 = arith.constant 6 : i32
      %mul3A_113 = arith.muli %mul3A_112, %scan3A_75 : i32
      %add3A_114 = arith.constant 2 : i32
      %add3A_115 = arith.addi %mul3A_113, %add3A_114 : i32
      %dma_wait3A_116 = arith.constant 0 : i32
      %dma_wait3A_117 = tpu.memref_slice %arg7[%dma_wait3A_116] : memref<10112xi32, #tpu.memory_space<vmem>> -> memref<32xi32, #tpu.memory_space<vmem>>
      %dma_wait3A_118 = arith.constant 0 : i32
      %dma_wait3A_119 = arith.constant 0 : i32
      %dma_wait3A_120 = tpu.memref_slice %arg4[%dma_wait3A_118, %dma_wait3A_119] : memref<10000x128xf32, #tpu.memory_space<hbm>> -> memref<10000x128xf32, #tpu.memory_space<hbm>>
      tpu.wait_indirect_dma semaphore(%arg18 : memref<!tpu.dma_semaphore, #tpu.memory_space<semaphore_mem>>) src(%dma_wait3A_120 : memref<10000x128xf32, #tpu.memory_space<hbm>>) dst(%arg11 : memref<32x128xf32, #tpu.memory_space<vmem>>)
      %mul3A_121 = arith.constant 32 : i32
      %mul3A_122 = arith.muli %add3A_115, %mul3A_121 : i32
      "tpu.region"() ({
        %run_scoped3A = tpu.sem_alloc : memref<!tpu.dma_semaphore, #tpu.memory_space<semaphore_mem>>
        %dma_start3A_184 = tpu.memref_slice %arg8[%mul3A_122] : memref<10112xi32, #tpu.memory_space<vmem>> -> memref<32xi32, #tpu.memory_space<vmem>>
        %dma_start3A_185 = arith.constant 0 : i32
        %dma_start3A_186 = arith.constant 0 : i32
        %dma_start3A_187 = tpu.memref_slice %arg15[%dma_start3A_185, %dma_start3A_186] : memref<10240x128xf32, #tpu.memory_space<vmem_shared>> -> memref<10240x128xf32, #tpu.memory_space<vmem_shared>>
        tpu.enqueue_indirect_dma source(%arg11 : memref<32x128xf32, #tpu.memory_space<vmem>>) target(%dma_start3A_187 : memref<10240x128xf32, #tpu.memory_space<vmem_shared>>) offsets(%dma_start3A_184 : memref<32xi32, #tpu.memory_space<vmem>>) semaphore(%run_scoped3A : memref<!tpu.dma_semaphore, #tpu.memory_space<semaphore_mem>>) {add = true}
        %dma_wait3A_188 = tpu.memref_slice %arg8[%mul3A_122] : memref<10112xi32, #tpu.memory_space<vmem>> -> memref<32xi32, #tpu.memory_space<vmem>>
        %dma_wait3A_189 = arith.constant 0 : i32
        %dma_wait3A_190 = arith.constant 0 : i32
        %dma_wait3A_191 = tpu.memref_slice %arg15[%dma_wait3A_189, %dma_wait3A_190] : memref<10240x128xf32, #tpu.memory_space<vmem_shared>> -> memref<10240x128xf32, #tpu.memory_space<vmem_shared>>
        tpu.wait_indirect_dma semaphore(%run_scoped3A : memref<!tpu.dma_semaphore, #tpu.memory_space<semaphore_mem>>) src(%arg11 : memref<32x128xf32, #tpu.memory_space<vmem>>) dst(%dma_wait3A_191 : memref<10240x128xf32, #tpu.memory_space<vmem_shared>>)
        tpu.yield
      }) : () -> ()
      %add3A_123 = arith.constant 6 : i32
      %add3A_124 = arith.addi %add3A_115, %add3A_123 : i32
      %lt3A_125 = arith.constant 316 : i32
      %lt3A_126 = arith.cmpi slt, %add3A_124, %lt3A_125 : i32
      %convert_element_type3A_127 = arith.extui %lt3A_126 : i1 to i32
      %cond3A_128 = arith.constant 0 : i32
      %cond3A_129 = arith.cmpi ne, %convert_element_type3A_127, %cond3A_128 : i32
      scf.if %cond3A_129 {
        %add3A_184 = arith.constant 6 : i32
        %add3A_185 = arith.addi %add3A_115, %add3A_184 : i32
        %mul3A_186 = arith.constant 32 : i32
        %mul3A_187 = arith.muli %add3A_185, %mul3A_186 : i32
        %dma_start3A_188 = tpu.memref_slice %arg7[%mul3A_187] : memref<10112xi32, #tpu.memory_space<vmem>> -> memref<32xi32, #tpu.memory_space<vmem>>
        %dma_start3A_189 = arith.constant 0 : i32
        %dma_start3A_190 = arith.constant 0 : i32
        %dma_start3A_191 = tpu.memref_slice %arg4[%dma_start3A_189, %dma_start3A_190] : memref<10000x128xf32, #tpu.memory_space<hbm>> -> memref<10000x128xf32, #tpu.memory_space<hbm>>
        tpu.enqueue_indirect_dma source(%dma_start3A_191 : memref<10000x128xf32, #tpu.memory_space<hbm>>) target(%arg11 : memref<32x128xf32, #tpu.memory_space<vmem>>) offsets(%dma_start3A_188 : memref<32xi32, #tpu.memory_space<vmem>>) semaphore(%arg18 : memref<!tpu.dma_semaphore, #tpu.memory_space<semaphore_mem>>)
      } else {
      }
      %mul3A_130 = arith.constant 6 : i32
      %mul3A_131 = arith.muli %mul3A_130, %scan3A_75 : i32
      %add3A_132 = arith.constant 3 : i32
      %add3A_133 = arith.addi %mul3A_131, %add3A_132 : i32
      %dma_wait3A_134 = arith.constant 0 : i32
      %dma_wait3A_135 = tpu.memref_slice %arg7[%dma_wait3A_134] : memref<10112xi32, #tpu.memory_space<vmem>> -> memref<32xi32, #tpu.memory_space<vmem>>
      %dma_wait3A_136 = arith.constant 0 : i32
      %dma_wait3A_137 = arith.constant 0 : i32
      %dma_wait3A_138 = tpu.memref_slice %arg4[%dma_wait3A_136, %dma_wait3A_137] : memref<10000x128xf32, #tpu.memory_space<hbm>> -> memref<10000x128xf32, #tpu.memory_space<hbm>>
      tpu.wait_indirect_dma semaphore(%arg19 : memref<!tpu.dma_semaphore, #tpu.memory_space<semaphore_mem>>) src(%dma_wait3A_138 : memref<10000x128xf32, #tpu.memory_space<hbm>>) dst(%arg12 : memref<32x128xf32, #tpu.memory_space<vmem>>)
      %mul3A_139 = arith.constant 32 : i32
      %mul3A_140 = arith.muli %add3A_133, %mul3A_139 : i32
      "tpu.region"() ({
        %run_scoped3A = tpu.sem_alloc : memref<!tpu.dma_semaphore, #tpu.memory_space<semaphore_mem>>
        %dma_start3A_184 = tpu.memref_slice %arg8[%mul3A_140] : memref<10112xi32, #tpu.memory_space<vmem>> -> memref<32xi32, #tpu.memory_space<vmem>>
        %dma_start3A_185 = arith.constant 0 : i32
        %dma_start3A_186 = arith.constant 0 : i32
        %dma_start3A_187 = tpu.memref_slice %arg15[%dma_start3A_185, %dma_start3A_186] : memref<10240x128xf32, #tpu.memory_space<vmem_shared>> -> memref<10240x128xf32, #tpu.memory_space<vmem_shared>>
        tpu.enqueue_indirect_dma source(%arg12 : memref<32x128xf32, #tpu.memory_space<vmem>>) target(%dma_start3A_187 : memref<10240x128xf32, #tpu.memory_space<vmem_shared>>) offsets(%dma_start3A_184 : memref<32xi32, #tpu.memory_space<vmem>>) semaphore(%run_scoped3A : memref<!tpu.dma_semaphore, #tpu.memory_space<semaphore_mem>>) {add = true}
        %dma_wait3A_188 = tpu.memref_slice %arg8[%mul3A_140] : memref<10112xi32, #tpu.memory_space<vmem>> -> memref<32xi32, #tpu.memory_space<vmem>>
        %dma_wait3A_189 = arith.constant 0 : i32
        %dma_wait3A_190 = arith.constant 0 : i32
        %dma_wait3A_191 = tpu.memref_slice %arg15[%dma_wait3A_189, %dma_wait3A_190] : memref<10240x128xf32, #tpu.memory_space<vmem_shared>> -> memref<10240x128xf32, #tpu.memory_space<vmem_shared>>
        tpu.wait_indirect_dma semaphore(%run_scoped3A : memref<!tpu.dma_semaphore, #tpu.memory_space<semaphore_mem>>) src(%arg12 : memref<32x128xf32, #tpu.memory_space<vmem>>) dst(%dma_wait3A_191 : memref<10240x128xf32, #tpu.memory_space<vmem_shared>>)
        tpu.yield
      }) : () -> ()
      %add3A_141 = arith.constant 6 : i32
      %add3A_142 = arith.addi %add3A_133, %add3A_141 : i32
      %lt3A_143 = arith.constant 316 : i32
      %lt3A_144 = arith.cmpi slt, %add3A_142, %lt3A_143 : i32
      %convert_element_type3A_145 = arith.extui %lt3A_144 : i1 to i32
      %cond3A_146 = arith.constant 0 : i32
      %cond3A_147 = arith.cmpi ne, %convert_element_type3A_145, %cond3A_146 : i32
      scf.if %cond3A_147 {
        %add3A_184 = arith.constant 6 : i32
        %add3A_185 = arith.addi %add3A_133, %add3A_184 : i32
        %mul3A_186 = arith.constant 32 : i32
        %mul3A_187 = arith.muli %add3A_185, %mul3A_186 : i32
        %dma_start3A_188 = tpu.memref_slice %arg7[%mul3A_187] : memref<10112xi32, #tpu.memory_space<vmem>> -> memref<32xi32, #tpu.memory_space<vmem>>
        %dma_start3A_189 = arith.constant 0 : i32
        %dma_start3A_190 = arith.constant 0 : i32
        %dma_start3A_191 = tpu.memref_slice %arg4[%dma_start3A_189, %dma_start3A_190] : memref<10000x128xf32, #tpu.memory_space<hbm>> -> memref<10000x128xf32, #tpu.memory_space<hbm>>
        tpu.enqueue_indirect_dma source(%dma_start3A_191 : memref<10000x128xf32, #tpu.memory_space<hbm>>) target(%arg12 : memref<32x128xf32, #tpu.memory_space<vmem>>) offsets(%dma_start3A_188 : memref<32xi32, #tpu.memory_space<vmem>>) semaphore(%arg19 : memref<!tpu.dma_semaphore, #tpu.memory_space<semaphore_mem>>)
      } else {
      }
      %mul3A_148 = arith.constant 6 : i32
      %mul3A_149 = arith.muli %mul3A_148, %scan3A_75 : i32
      %add3A_150 = arith.constant 4 : i32
      %add3A_151 = arith.addi %mul3A_149, %add3A_150 : i32
      %dma_wait3A_152 = arith.constant 0 : i32
      %dma_wait3A_153 = tpu.memref_slice %arg7[%dma_wait3A_152] : memref<10112xi32, #tpu.memory_space<vmem>> -> memref<32xi32, #tpu.memory_space<vmem>>
      %dma_wait3A_154 = arith.constant 0 : i32
      %dma_wait3A_155 = arith.constant 0 : i32
      %dma_wait3A_156 = tpu.memref_slice %arg4[%dma_wait3A_154, %dma_wait3A_155] : memref<10000x128xf32, #tpu.memory_space<hbm>> -> memref<10000x128xf32, #tpu.memory_space<hbm>>
      tpu.wait_indirect_dma semaphore(%arg20 : memref<!tpu.dma_semaphore, #tpu.memory_space<semaphore_mem>>) src(%dma_wait3A_156 : memref<10000x128xf32, #tpu.memory_space<hbm>>) dst(%arg13 : memref<32x128xf32, #tpu.memory_space<vmem>>)
      %mul3A_157 = arith.constant 32 : i32
      %mul3A_158 = arith.muli %add3A_151, %mul3A_157 : i32
      "tpu.region"() ({
        %run_scoped3A = tpu.sem_alloc : memref<!tpu.dma_semaphore, #tpu.memory_space<semaphore_mem>>
        %dma_start3A_184 = tpu.memref_slice %arg8[%mul3A_158] : memref<10112xi32, #tpu.memory_space<vmem>> -> memref<32xi32, #tpu.memory_space<vmem>>
        %dma_start3A_185 = arith.constant 0 : i32
        %dma_start3A_186 = arith.constant 0 : i32
        %dma_start3A_187 = tpu.memref_slice %arg15[%dma_start3A_185, %dma_start3A_186] : memref<10240x128xf32, #tpu.memory_space<vmem_shared>> -> memref<10240x128xf32, #tpu.memory_space<vmem_shared>>
        tpu.enqueue_indirect_dma source(%arg13 : memref<32x128xf32, #tpu.memory_space<vmem>>) target(%dma_start3A_187 : memref<10240x128xf32, #tpu.memory_space<vmem_shared>>) offsets(%dma_start3A_184 : memref<32xi32, #tpu.memory_space<vmem>>) semaphore(%run_scoped3A : memref<!tpu.dma_semaphore, #tpu.memory_space<semaphore_mem>>) {add = true}
        %dma_wait3A_188 = tpu.memref_slice %arg8[%mul3A_158] : memref<10112xi32, #tpu.memory_space<vmem>> -> memref<32xi32, #tpu.memory_space<vmem>>
        %dma_wait3A_189 = arith.constant 0 : i32
        %dma_wait3A_190 = arith.constant 0 : i32
        %dma_wait3A_191 = tpu.memref_slice %arg15[%dma_wait3A_189, %dma_wait3A_190] : memref<10240x128xf32, #tpu.memory_space<vmem_shared>> -> memref<10240x128xf32, #tpu.memory_space<vmem_shared>>
        tpu.wait_indirect_dma semaphore(%run_scoped3A : memref<!tpu.dma_semaphore, #tpu.memory_space<semaphore_mem>>) src(%arg13 : memref<32x128xf32, #tpu.memory_space<vmem>>) dst(%dma_wait3A_191 : memref<10240x128xf32, #tpu.memory_space<vmem_shared>>)
        tpu.yield
      }) : () -> ()
      %add3A_159 = arith.constant 6 : i32
      %add3A_160 = arith.addi %add3A_151, %add3A_159 : i32
      %lt3A_161 = arith.constant 316 : i32
      %lt3A_162 = arith.cmpi slt, %add3A_160, %lt3A_161 : i32
      %convert_element_type3A_163 = arith.extui %lt3A_162 : i1 to i32
      %cond3A_164 = arith.constant 0 : i32
      %cond3A_165 = arith.cmpi ne, %convert_element_type3A_163, %cond3A_164 : i32
      scf.if %cond3A_165 {
        %add3A_184 = arith.constant 6 : i32
        %add3A_185 = arith.addi %add3A_151, %add3A_184 : i32
        %mul3A_186 = arith.constant 32 : i32
        %mul3A_187 = arith.muli %add3A_185, %mul3A_186 : i32
        %dma_start3A_188 = tpu.memref_slice %arg7[%mul3A_187] : memref<10112xi32, #tpu.memory_space<vmem>> -> memref<32xi32, #tpu.memory_space<vmem>>
        %dma_start3A_189 = arith.constant 0 : i32
        %dma_start3A_190 = arith.constant 0 : i32
        %dma_start3A_191 = tpu.memref_slice %arg4[%dma_start3A_189, %dma_start3A_190] : memref<10000x128xf32, #tpu.memory_space<hbm>> -> memref<10000x128xf32, #tpu.memory_space<hbm>>
        tpu.enqueue_indirect_dma source(%dma_start3A_191 : memref<10000x128xf32, #tpu.memory_space<hbm>>) target(%arg13 : memref<32x128xf32, #tpu.memory_space<vmem>>) offsets(%dma_start3A_188 : memref<32xi32, #tpu.memory_space<vmem>>) semaphore(%arg20 : memref<!tpu.dma_semaphore, #tpu.memory_space<semaphore_mem>>)
      } else {
      }
      %mul3A_166 = arith.constant 6 : i32
      %mul3A_167 = arith.muli %mul3A_166, %scan3A_75 : i32
      %add3A_168 = arith.constant 5 : i32
      %add3A_169 = arith.addi %mul3A_167, %add3A_168 : i32
      %dma_wait3A_170 = arith.constant 0 : i32
      %dma_wait3A_171 = tpu.memref_slice %arg7[%dma_wait3A_170] : memref<10112xi32, #tpu.memory_space<vmem>> -> memref<32xi32, #tpu.memory_space<vmem>>
      %dma_wait3A_172 = arith.constant 0 : i32
      %dma_wait3A_173 = arith.constant 0 : i32
      %dma_wait3A_174 = tpu.memref_slice %arg4[%dma_wait3A_172, %dma_wait3A_173] : memref<10000x128xf32, #tpu.memory_space<hbm>> -> memref<10000x128xf32, #tpu.memory_space<hbm>>
      tpu.wait_indirect_dma semaphore(%arg21 : memref<!tpu.dma_semaphore, #tpu.memory_space<semaphore_mem>>) src(%dma_wait3A_174 : memref<10000x128xf32, #tpu.memory_space<hbm>>) dst(%arg14 : memref<32x128xf32, #tpu.memory_space<vmem>>)
      %mul3A_175 = arith.constant 32 : i32
      %mul3A_176 = arith.muli %add3A_169, %mul3A_175 : i32
      "tpu.region"() ({
        %run_scoped3A = tpu.sem_alloc : memref<!tpu.dma_semaphore, #tpu.memory_space<semaphore_mem>>
        %dma_start3A_184 = tpu.memref_slice %arg8[%mul3A_176] : memref<10112xi32, #tpu.memory_space<vmem>> -> memref<32xi32, #tpu.memory_space<vmem>>
        %dma_start3A_185 = arith.constant 0 : i32
        %dma_start3A_186 = arith.constant 0 : i32
        %dma_start3A_187 = tpu.memref_slice %arg15[%dma_start3A_185, %dma_start3A_186] : memref<10240x128xf32, #tpu.memory_space<vmem_shared>> -> memref<10240x128xf32, #tpu.memory_space<vmem_shared>>
        tpu.enqueue_indirect_dma source(%arg14 : memref<32x128xf32, #tpu.memory_space<vmem>>) target(%dma_start3A_187 : memref<10240x128xf32, #tpu.memory_space<vmem_shared>>) offsets(%dma_start3A_184 : memref<32xi32, #tpu.memory_space<vmem>>) semaphore(%run_scoped3A : memref<!tpu.dma_semaphore, #tpu.memory_space<semaphore_mem>>) {add = true}
        %dma_wait3A_188 = tpu.memref_slice %arg8[%mul3A_176] : memref<10112xi32, #tpu.memory_space<vmem>> -> memref<32xi32, #tpu.memory_space<vmem>>
        %dma_wait3A_189 = arith.constant 0 : i32
        %dma_wait3A_190 = arith.constant 0 : i32
        %dma_wait3A_191 = tpu.memref_slice %arg15[%dma_wait3A_189, %dma_wait3A_190] : memref<10240x128xf32, #tpu.memory_space<vmem_shared>> -> memref<10240x128xf32, #tpu.memory_space<vmem_shared>>
        tpu.wait_indirect_dma semaphore(%run_scoped3A : memref<!tpu.dma_semaphore, #tpu.memory_space<semaphore_mem>>) src(%arg14 : memref<32x128xf32, #tpu.memory_space<vmem>>) dst(%dma_wait3A_191 : memref<10240x128xf32, #tpu.memory_space<vmem_shared>>)
        tpu.yield
      }) : () -> ()
      %add3A_177 = arith.constant 6 : i32
      %add3A_178 = arith.addi %add3A_169, %add3A_177 : i32
      %lt3A_179 = arith.constant 316 : i32
      %lt3A_180 = arith.cmpi slt, %add3A_178, %lt3A_179 : i32
      %convert_element_type3A_181 = arith.extui %lt3A_180 : i1 to i32
      %cond3A_182 = arith.constant 0 : i32
      %cond3A_183 = arith.cmpi ne, %convert_element_type3A_181, %cond3A_182 : i32
      scf.if %cond3A_183 {
        %add3A_184 = arith.constant 6 : i32
        %add3A_185 = arith.addi %add3A_169, %add3A_184 : i32
        %mul3A_186 = arith.constant 32 : i32
        %mul3A_187 = arith.muli %add3A_185, %mul3A_186 : i32
        %dma_start3A_188 = tpu.memref_slice %arg7[%mul3A_187] : memref<10112xi32, #tpu.memory_space<vmem>> -> memref<32xi32, #tpu.memory_space<vmem>>
        %dma_start3A_189 = arith.constant 0 : i32
        %dma_start3A_190 = arith.constant 0 : i32
        %dma_start3A_191 = tpu.memref_slice %arg4[%dma_start3A_189, %dma_start3A_190] : memref<10000x128xf32, #tpu.memory_space<hbm>> -> memref<10000x128xf32, #tpu.memory_space<hbm>>
        tpu.enqueue_indirect_dma source(%dma_start3A_191 : memref<10000x128xf32, #tpu.memory_space<hbm>>) target(%arg14 : memref<32x128xf32, #tpu.memory_space<vmem>>) offsets(%dma_start3A_188 : memref<32xi32, #tpu.memory_space<vmem>>) semaphore(%arg21 : memref<!tpu.dma_semaphore, #tpu.memory_space<semaphore_mem>>)
      } else {
      }
    }
    %scan3A_50 = arith.constant 52 : i32
    %dma_wait3A = arith.constant 0 : i32
    %dma_wait3A_51 = tpu.memref_slice %arg7[%dma_wait3A] : memref<10112xi32, #tpu.memory_space<vmem>> -> memref<32xi32, #tpu.memory_space<vmem>>
    %dma_wait3A_52 = arith.constant 0 : i32
    %dma_wait3A_53 = arith.constant 0 : i32
    %dma_wait3A_54 = tpu.memref_slice %arg4[%dma_wait3A_52, %dma_wait3A_53] : memref<10000x128xf32, #tpu.memory_space<hbm>> -> memref<10000x128xf32, #tpu.memory_space<hbm>>
    tpu.wait_indirect_dma semaphore(%arg16 : memref<!tpu.dma_semaphore, #tpu.memory_space<semaphore_mem>>) src(%dma_wait3A_54 : memref<10000x128xf32, #tpu.memory_space<hbm>>) dst(%arg9 : memref<32x128xf32, #tpu.memory_space<vmem>>)
    "tpu.region"() ({
      %run_scoped3A = tpu.sem_alloc : memref<!tpu.dma_semaphore, #tpu.memory_space<semaphore_mem>>
      %dma_start3A_75 = arith.constant 9984 : i32
      %dma_start3A_76 = tpu.memref_slice %arg8[%dma_start3A_75] : memref<10112xi32, #tpu.memory_space<vmem>> -> memref<32xi32, #tpu.memory_space<vmem>>
      %dma_start3A_77 = arith.constant 0 : i32
      %dma_start3A_78 = arith.constant 0 : i32
      %dma_start3A_79 = tpu.memref_slice %arg15[%dma_start3A_77, %dma_start3A_78] : memref<10240x128xf32, #tpu.memory_space<vmem_shared>> -> memref<10240x128xf32, #tpu.memory_space<vmem_shared>>
      tpu.enqueue_indirect_dma source(%arg9 : memref<32x128xf32, #tpu.memory_space<vmem>>) target(%dma_start3A_79 : memref<10240x128xf32, #tpu.memory_space<vmem_shared>>) offsets(%dma_start3A_76 : memref<32xi32, #tpu.memory_space<vmem>>) semaphore(%run_scoped3A : memref<!tpu.dma_semaphore, #tpu.memory_space<semaphore_mem>>) {add = true}
      %dma_wait3A_80 = arith.constant 9984 : i32
      %dma_wait3A_81 = tpu.memref_slice %arg8[%dma_wait3A_80] : memref<10112xi32, #tpu.memory_space<vmem>> -> memref<32xi32, #tpu.memory_space<vmem>>
      %dma_wait3A_82 = arith.constant 0 : i32
      %dma_wait3A_83 = arith.constant 0 : i32
      %dma_wait3A_84 = tpu.memref_slice %arg15[%dma_wait3A_82, %dma_wait3A_83] : memref<10240x128xf32, #tpu.memory_space<vmem_shared>> -> memref<10240x128xf32, #tpu.memory_space<vmem_shared>>
      tpu.wait_indirect_dma semaphore(%run_scoped3A : memref<!tpu.dma_semaphore, #tpu.memory_space<semaphore_mem>>) src(%arg9 : memref<32x128xf32, #tpu.memory_space<vmem>>) dst(%dma_wait3A_84 : memref<10240x128xf32, #tpu.memory_space<vmem_shared>>)
      tpu.yield
    }) : () -> ()
    %dma_wait3A_55 = arith.constant 0 : i32
    %dma_wait3A_56 = tpu.memref_slice %arg7[%dma_wait3A_55] : memref<10112xi32, #tpu.memory_space<vmem>> -> memref<32xi32, #tpu.memory_space<vmem>>
    %dma_wait3A_57 = arith.constant 0 : i32
    %dma_wait3A_58 = arith.constant 0 : i32
    %dma_wait3A_59 = tpu.memref_slice %arg4[%dma_wait3A_57, %dma_wait3A_58] : memref<10000x128xf32, #tpu.memory_space<hbm>> -> memref<10000x128xf32, #tpu.memory_space<hbm>>
    tpu.wait_indirect_dma semaphore(%arg17 : memref<!tpu.dma_semaphore, #tpu.memory_space<semaphore_mem>>) src(%dma_wait3A_59 : memref<10000x128xf32, #tpu.memory_space<hbm>>) dst(%arg10 : memref<32x128xf32, #tpu.memory_space<vmem>>)
    "tpu.region"() ({
      %run_scoped3A = tpu.sem_alloc : memref<!tpu.dma_semaphore, #tpu.memory_space<semaphore_mem>>
      %dma_start3A_75 = arith.constant 10016 : i32
      %dma_start3A_76 = tpu.memref_slice %arg8[%dma_start3A_75] : memref<10112xi32, #tpu.memory_space<vmem>> -> memref<32xi32, #tpu.memory_space<vmem>>
      %dma_start3A_77 = arith.constant 0 : i32
      %dma_start3A_78 = arith.constant 0 : i32
      %dma_start3A_79 = tpu.memref_slice %arg15[%dma_start3A_77, %dma_start3A_78] : memref<10240x128xf32, #tpu.memory_space<vmem_shared>> -> memref<10240x128xf32, #tpu.memory_space<vmem_shared>>
      tpu.enqueue_indirect_dma source(%arg10 : memref<32x128xf32, #tpu.memory_space<vmem>>) target(%dma_start3A_79 : memref<10240x128xf32, #tpu.memory_space<vmem_shared>>) offsets(%dma_start3A_76 : memref<32xi32, #tpu.memory_space<vmem>>) semaphore(%run_scoped3A : memref<!tpu.dma_semaphore, #tpu.memory_space<semaphore_mem>>) {add = true}
      %dma_wait3A_80 = arith.constant 10016 : i32
      %dma_wait3A_81 = tpu.memref_slice %arg8[%dma_wait3A_80] : memref<10112xi32, #tpu.memory_space<vmem>> -> memref<32xi32, #tpu.memory_space<vmem>>
      %dma_wait3A_82 = arith.constant 0 : i32
      %dma_wait3A_83 = arith.constant 0 : i32
      %dma_wait3A_84 = tpu.memref_slice %arg15[%dma_wait3A_82, %dma_wait3A_83] : memref<10240x128xf32, #tpu.memory_space<vmem_shared>> -> memref<10240x128xf32, #tpu.memory_space<vmem_shared>>
      tpu.wait_indirect_dma semaphore(%run_scoped3A : memref<!tpu.dma_semaphore, #tpu.memory_space<semaphore_mem>>) src(%arg10 : memref<32x128xf32, #tpu.memory_space<vmem>>) dst(%dma_wait3A_84 : memref<10240x128xf32, #tpu.memory_space<vmem_shared>>)
      tpu.yield
    }) : () -> ()
    %dma_wait3A_60 = arith.constant 0 : i32
    %dma_wait3A_61 = tpu.memref_slice %arg7[%dma_wait3A_60] : memref<10112xi32, #tpu.memory_space<vmem>> -> memref<32xi32, #tpu.memory_space<vmem>>
    %dma_wait3A_62 = arith.constant 0 : i32
    %dma_wait3A_63 = arith.constant 0 : i32
    %dma_wait3A_64 = tpu.memref_slice %arg4[%dma_wait3A_62, %dma_wait3A_63] : memref<10000x128xf32, #tpu.memory_space<hbm>> -> memref<10000x128xf32, #tpu.memory_space<hbm>>
    tpu.wait_indirect_dma semaphore(%arg18 : memref<!tpu.dma_semaphore, #tpu.memory_space<semaphore_mem>>) src(%dma_wait3A_64 : memref<10000x128xf32, #tpu.memory_space<hbm>>) dst(%arg11 : memref<32x128xf32, #tpu.memory_space<vmem>>)
    "tpu.region"() ({
      %run_scoped3A = tpu.sem_alloc : memref<!tpu.dma_semaphore, #tpu.memory_space<semaphore_mem>>
      %dma_start3A_75 = arith.constant 10048 : i32
      %dma_start3A_76 = tpu.memref_slice %arg8[%dma_start3A_75] : memref<10112xi32, #tpu.memory_space<vmem>> -> memref<32xi32, #tpu.memory_space<vmem>>
      %dma_start3A_77 = arith.constant 0 : i32
      %dma_start3A_78 = arith.constant 0 : i32
      %dma_start3A_79 = tpu.memref_slice %arg15[%dma_start3A_77, %dma_start3A_78] : memref<10240x128xf32, #tpu.memory_space<vmem_shared>> -> memref<10240x128xf32, #tpu.memory_space<vmem_shared>>
      tpu.enqueue_indirect_dma source(%arg11 : memref<32x128xf32, #tpu.memory_space<vmem>>) target(%dma_start3A_79 : memref<10240x128xf32, #tpu.memory_space<vmem_shared>>) offsets(%dma_start3A_76 : memref<32xi32, #tpu.memory_space<vmem>>) semaphore(%run_scoped3A : memref<!tpu.dma_semaphore, #tpu.memory_space<semaphore_mem>>) {add = true}
      %dma_wait3A_80 = arith.constant 10048 : i32
      %dma_wait3A_81 = tpu.memref_slice %arg8[%dma_wait3A_80] : memref<10112xi32, #tpu.memory_space<vmem>> -> memref<32xi32, #tpu.memory_space<vmem>>
      %dma_wait3A_82 = arith.constant 0 : i32
      %dma_wait3A_83 = arith.constant 0 : i32
      %dma_wait3A_84 = tpu.memref_slice %arg15[%dma_wait3A_82, %dma_wait3A_83] : memref<10240x128xf32, #tpu.memory_space<vmem_shared>> -> memref<10240x128xf32, #tpu.memory_space<vmem_shared>>
      tpu.wait_indirect_dma semaphore(%run_scoped3A : memref<!tpu.dma_semaphore, #tpu.memory_space<semaphore_mem>>) src(%arg11 : memref<32x128xf32, #tpu.memory_space<vmem>>) dst(%dma_wait3A_84 : memref<10240x128xf32, #tpu.memory_space<vmem_shared>>)
      tpu.yield
    }) : () -> ()
    %dma_wait3A_65 = arith.constant 0 : i32
    %dma_wait3A_66 = tpu.memref_slice %arg7[%dma_wait3A_65] : memref<10112xi32, #tpu.memory_space<vmem>> -> memref<32xi32, #tpu.memory_space<vmem>>
    %dma_wait3A_67 = arith.constant 0 : i32
    %dma_wait3A_68 = arith.constant 0 : i32
    %dma_wait3A_69 = tpu.memref_slice %arg4[%dma_wait3A_67, %dma_wait3A_68] : memref<10000x128xf32, #tpu.memory_space<hbm>> -> memref<10000x128xf32, #tpu.memory_space<hbm>>
    tpu.wait_indirect_dma semaphore(%arg19 : memref<!tpu.dma_semaphore, #tpu.memory_space<semaphore_mem>>) src(%dma_wait3A_69 : memref<10000x128xf32, #tpu.memory_space<hbm>>) dst(%arg12 : memref<32x128xf32, #tpu.memory_space<vmem>>)
    "tpu.region"() ({
      %run_scoped3A = tpu.sem_alloc : memref<!tpu.dma_semaphore, #tpu.memory_space<semaphore_mem>>
      %dma_start3A_75 = arith.constant 10080 : i32
      %dma_start3A_76 = tpu.memref_slice %arg8[%dma_start3A_75] : memref<10112xi32, #tpu.memory_space<vmem>> -> memref<32xi32, #tpu.memory_space<vmem>>
      %dma_start3A_77 = arith.constant 0 : i32
      %dma_start3A_78 = arith.constant 0 : i32
      %dma_start3A_79 = tpu.memref_slice %arg15[%dma_start3A_77, %dma_start3A_78] : memref<10240x128xf32, #tpu.memory_space<vmem_shared>> -> memref<10240x128xf32, #tpu.memory_space<vmem_shared>>
      tpu.enqueue_indirect_dma source(%arg12 : memref<32x128xf32, #tpu.memory_space<vmem>>) target(%dma_start3A_79 : memref<10240x128xf32, #tpu.memory_space<vmem_shared>>) offsets(%dma_start3A_76 : memref<32xi32, #tpu.memory_space<vmem>>) semaphore(%run_scoped3A : memref<!tpu.dma_semaphore, #tpu.memory_space<semaphore_mem>>) {add = true}
      %dma_wait3A_80 = arith.constant 10080 : i32
      %dma_wait3A_81 = tpu.memref_slice %arg8[%dma_wait3A_80] : memref<10112xi32, #tpu.memory_space<vmem>> -> memref<32xi32, #tpu.memory_space<vmem>>
      %dma_wait3A_82 = arith.constant 0 : i32
      %dma_wait3A_83 = arith.constant 0 : i32
      %dma_wait3A_84 = tpu.memref_slice %arg15[%dma_wait3A_82, %dma_wait3A_83] : memref<10240x128xf32, #tpu.memory_space<vmem_shared>> -> memref<10240x128xf32, #tpu.memory_space<vmem_shared>>
      tpu.wait_indirect_dma semaphore(%run_scoped3A : memref<!tpu.dma_semaphore, #tpu.memory_space<semaphore_mem>>) src(%arg12 : memref<32x128xf32, #tpu.memory_space<vmem>>) dst(%dma_wait3A_84 : memref<10240x128xf32, #tpu.memory_space<vmem_shared>>)
      tpu.yield
    }) : () -> ()
    %barrier3A_70 = arith.constant 0 : index
    tpu.barrier barrier_id(%barrier3A_70)
    %mul3A_71 = arith.constant 640 : i32
    %mul3A_72 = arith.muli %arg1, %mul3A_71 : i32
    %mul3A_73 = arith.constant 640 : i32
    %mul3A_74 = arith.muli %arg1, %mul3A_73 : i32
    "tpu.region"() ({
      %run_scoped3A = tpu.sem_alloc : memref<!tpu.dma_semaphore, #tpu.memory_space<semaphore_mem>>
      %dma_start3A_75 = arith.constant 0 : i32
      %dma_start3A_76 = tpu.memref_slice %arg6[%arg0, %mul3A_74, %dma_start3A_75] : memref<2x10240x128xf32, #tpu.memory_space<hbm>> -> memref<1x640x128xf32, #tpu.memory_space<hbm>>
      %dma_start3A_77 = tpu.memref_squeeze %dma_start3A_76 : memref<1x640x128xf32, #tpu.memory_space<hbm>> -> memref<640x128xf32, #tpu.memory_space<hbm>>
      %dma_start3A_78 = arith.constant 0 : i32
      %dma_start3A_79 = tpu.memref_slice %arg15[%mul3A_72, %dma_start3A_78] : memref<10240x128xf32, #tpu.memory_space<vmem_shared>> -> memref<640x128xf32, #tpu.memory_space<vmem_shared>>
      tpu.enqueue_dma source(%dma_start3A_79 : memref<640x128xf32, #tpu.memory_space<vmem_shared>>) target(%dma_start3A_77 : memref<640x128xf32, #tpu.memory_space<hbm>>) target_semaphore(%run_scoped3A : memref<!tpu.dma_semaphore, #tpu.memory_space<semaphore_mem>>)
      %dma_wait3A_80 = arith.constant 0 : i32
      %dma_wait3A_81 = tpu.memref_slice %arg6[%arg0, %mul3A_74, %dma_wait3A_80] : memref<2x10240x128xf32, #tpu.memory_space<hbm>> -> memref<1x640x128xf32, #tpu.memory_space<hbm>>
      %dma_wait3A_82 = tpu.memref_squeeze %dma_wait3A_81 : memref<1x640x128xf32, #tpu.memory_space<hbm>> -> memref<640x128xf32, #tpu.memory_space<hbm>>
      %dma_wait3A_83 = arith.constant 0 : i32
      %dma_wait3A_84 = tpu.memref_slice %arg15[%mul3A_72, %dma_wait3A_83] : memref<10240x128xf32, #tpu.memory_space<vmem_shared>> -> memref<640x128xf32, #tpu.memory_space<vmem_shared>>
      tpu.wait_dma2 semaphore(%run_scoped3A : memref<!tpu.dma_semaphore, #tpu.memory_space<semaphore_mem>>) src(%dma_wait3A_84 : memref<640x128xf32, #tpu.memory_space<vmem_shared>>) dst(%dma_wait3A_82 : memref<640x128xf32, #tpu.memory_space<hbm>>)
      tpu.yield
    }) : () -> ()
    return
  }
}

module attributes {stable_mosaic.version = 14 : i64} {
  func.func @_scale_body(%arg0: memref<10000x128xf32, #tpu.memory_space<vmem>>, %arg1: memref<2x10240x1xf32, #tpu.memory_space<vmem>>, %arg2: memref<10000x128xf32, #tpu.memory_space<vmem>>, %arg3: memref<10240x1xf32, #tpu.memory_space<vmem>>) attributes {dimension_semantics = [], scalar_prefetch = 0 : i64, scratch_operands = 0 : i64, tpu.core_type = #tpu.core_type<tc>} {
    %get3A = arith.constant 0 : index
    %get3A_0 = arith.constant 0 : index
    %get3A_1 = arith.constant 0 : index
    %get3A_2 = vector.load %arg1[%get3A, %get3A_0, %get3A_1] : memref<2x10240x1xf32, #tpu.memory_space<vmem>>, vector<1x10240x1xf32>
    %get3A_3 = vector.shape_cast %get3A_2 : vector<1x10240x1xf32> to vector<10240x1xf32>
    %get3A_4 = arith.constant 1 : index
    %get3A_5 = arith.constant 0 : index
    %get3A_6 = arith.constant 0 : index
    %get3A_7 = vector.load %arg1[%get3A_4, %get3A_5, %get3A_6] : memref<2x10240x1xf32, #tpu.memory_space<vmem>>, vector<1x10240x1xf32>
    %get3A_8 = vector.shape_cast %get3A_7 : vector<1x10240x1xf32> to vector<10240x1xf32>
    %add3A = arith.addf %get3A_3, %get3A_8 : vector<10240x1xf32>
    %add3A_9 = arith.constant 1.000000e+00 : f32
    %add3A_10 = vector.broadcast %add3A_9 : f32 to vector<10240x1xf32>
    %add3A_11 = arith.addf %add3A, %add3A_10 : vector<10240x1xf32>
    %rsqrt3A = math.rsqrt %add3A_11 : vector<10240x1xf32>
    %swap3A = arith.constant 0 : index
    %swap3A_12 = arith.constant 0 : index
    %swap3A_13 = vector.load %arg3[%swap3A, %swap3A_12] : memref<10240x1xf32, #tpu.memory_space<vmem>>, vector<10240x1xf32>
    tpu.vector_store %arg3[%swap3A, %swap3A_12], %rsqrt3A {strides = array<i32>} : memref<10240x1xf32, #tpu.memory_space<vmem>>, vector<10240x1xf32>,
    %get3A_14 = arith.constant 0 : index
    %get3A_15 = arith.constant 0 : index
    %get3A_16 = vector.load %arg0[%get3A_14, %get3A_15] : memref<10000x128xf32, #tpu.memory_space<vmem>>, vector<10000x128xf32>
    %slice3A = vector.extract_strided_slice %rsqrt3A {offsets = [0, 0], sizes = [10000, 1], strides = [1, 1]} : vector<10240x1xf32> to vector<10000x1xf32>
    %mul3A = vector.broadcast %slice3A : vector<10000x1xf32> to vector<10000x128xf32>
    %mul3A_17 = arith.mulf %get3A_16, %mul3A : vector<10000x128xf32>
    %swap3A_18 = arith.constant 0 : index
    %swap3A_19 = arith.constant 0 : index
    %swap3A_20 = vector.load %arg2[%swap3A_18, %swap3A_19] : memref<10000x128xf32, #tpu.memory_space<vmem>>, vector<10000x128xf32>
    tpu.vector_store %arg2[%swap3A_18, %swap3A_19], %mul3A_17 {strides = array<i32>} : memref<10000x128xf32, #tpu.memory_space<vmem>>, vector<10000x128xf32>,
    return
  }
}

module attributes {stable_mosaic.version = 14 : i64} {
  func.func @_matmul_body(%arg0: memref<10000x128xf32, #tpu.memory_space<vmem>>, %arg1: memref<128x128xf32, #tpu.memory_space<vmem>>, %arg2: memref<10000x128xf32, #tpu.memory_space<vmem>>) attributes {dimension_semantics = [], scalar_prefetch = 0 : i64, scratch_operands = 0 : i64, tpu.core_type = #tpu.core_type<tc>} {
    %get3A = arith.constant 0 : index
    %get3A_0 = arith.constant 0 : index
    %get3A_1 = vector.load %arg0[%get3A, %get3A_0] : memref<10000x128xf32, #tpu.memory_space<vmem>>, vector<10000x128xf32>
    %get3A_2 = arith.constant 0 : index
    %get3A_3 = arith.constant 0 : index
    %get3A_4 = vector.load %arg1[%get3A_2, %get3A_3] : memref<128x128xf32, #tpu.memory_space<vmem>>, vector<128x128xf32>
    %dot_general3A = arith.constant dense<0.000000e+00> : vector<10000x128xf32>
    %dot_general3A_5 = tpu.matmul %get3A_1, %get3A_4, %dot_general3A {dimension_numbers = #tpu.dot_dimension_numbers<[1], [0], [0], [1], [0, 0, 1, 1], [], []>, transpose_lhs_hint = false} : vector<10000x128xf32>, vector<128x128xf32>, vector<10000x128xf32> -> vector<10000x128xf32>
    %swap3A = arith.constant 0 : index
    %swap3A_6 = arith.constant 0 : index
    %swap3A_7 = vector.load %arg2[%swap3A, %swap3A_6] : memref<10000x128xf32, #tpu.memory_space<vmem>>, vector<10000x128xf32>
    tpu.vector_store %arg2[%swap3A, %swap3A_6], %dot_general3A_5 {strides = array<i32>} : memref<10000x128xf32, #tpu.memory_space<vmem>>, vector<10000x128xf32>,
    return
  }
}

module attributes {stable_mosaic.version = 14 : i64} {
  func.func @_final_body(%arg0: memref<2x10240x128xf32, #tpu.memory_space<vmem>>, %arg1: memref<10240x1xf32, #tpu.memory_space<vmem>>, %arg2: memref<1x128xf32, #tpu.memory_space<vmem>>, %arg3: memref<1x128xf32, #tpu.memory_space<vmem>>, %arg4: memref<1x128xf32, #tpu.memory_space<vmem>>, %arg5: memref<10000x128xf32, #tpu.memory_space<vmem>>) attributes {dimension_semantics = [], scalar_prefetch = 0 : i64, scratch_operands = 0 : i64, tpu.core_type = #tpu.core_type<tc>} {
    %get3A = arith.constant 0 : index
    %get3A_0 = arith.constant 0 : index
    %get3A_1 = vector.load %arg1[%get3A, %get3A_0] : memref<10240x1xf32, #tpu.memory_space<vmem>>, vector<10000x1xf32>
    %get3A_2 = arith.constant 0 : index
    %get3A_3 = arith.constant 0 : index
    %get3A_4 = arith.constant 0 : index
    %get3A_5 = vector.load %arg0[%get3A_2, %get3A_3, %get3A_4] : memref<2x10240x128xf32, #tpu.memory_space<vmem>>, vector<1x10000x128xf32>
    %get3A_6 = vector.shape_cast %get3A_5 : vector<1x10000x128xf32> to vector<10000x128xf32>
    %get3A_7 = arith.constant 1 : index
    %get3A_8 = arith.constant 0 : index
    %get3A_9 = arith.constant 0 : index
    %get3A_10 = vector.load %arg0[%get3A_7, %get3A_8, %get3A_9] : memref<2x10240x128xf32, #tpu.memory_space<vmem>>, vector<1x10000x128xf32>
    %get3A_11 = vector.shape_cast %get3A_10 : vector<1x10000x128xf32> to vector<10000x128xf32>
    %add3A = arith.addf %get3A_6, %get3A_11 : vector<10000x128xf32>
    %mul3A = vector.broadcast %get3A_1 : vector<10000x1xf32> to vector<10000x128xf32>
    %mul3A_12 = arith.mulf %add3A, %mul3A : vector<10000x128xf32>
    %get3A_13 = arith.constant 0 : index
    %get3A_14 = arith.constant 0 : index
    %get3A_15 = vector.load %arg2[%get3A_13, %get3A_14] : memref<1x128xf32, #tpu.memory_space<vmem>>, vector<1x128xf32>
    %add3A_16 = vector.broadcast %get3A_15 : vector<1x128xf32> to vector<10000x128xf32>
    %add3A_17 = arith.addf %mul3A_12, %add3A_16 : vector<10000x128xf32>
    %reduce_sum3A = arith.constant dense<0.000000e+00> : vector<128xf32>
    %reduce_sum3A_18 = vector.multi_reduction <add>, %add3A_17, %reduce_sum3A [0] : vector<10000x128xf32> to vector<128xf32>
    %broadcast_in_dim3A = vector.shape_cast %reduce_sum3A_18 : vector<128xf32> to vector<1x128xf32>
    %div3A = arith.constant 1.000000e+04 : f32
    %div3A_19 = vector.broadcast %div3A : f32 to vector<1x128xf32>
    %div3A_20 = arith.divf %broadcast_in_dim3A, %div3A_19 : vector<1x128xf32>
    %sub3A = vector.broadcast %div3A_20 : vector<1x128xf32> to vector<10000x128xf32>
    %sub3A_21 = arith.subf %add3A_17, %sub3A : vector<10000x128xf32>
    %mul3A_22 = arith.mulf %sub3A_21, %sub3A_21 : vector<10000x128xf32>
    %reduce_sum3A_23 = arith.constant dense<0.000000e+00> : vector<128xf32>
    %reduce_sum3A_24 = vector.multi_reduction <add>, %mul3A_22, %reduce_sum3A_23 [0] : vector<10000x128xf32> to vector<128xf32>
    %broadcast_in_dim3A_25 = vector.shape_cast %reduce_sum3A_24 : vector<128xf32> to vector<1x128xf32>
    %div3A_26 = arith.constant 1.000000e+04 : f32
    %div3A_27 = vector.broadcast %div3A_26 : f32 to vector<1x128xf32>
    %div3A_28 = arith.divf %broadcast_in_dim3A_25, %div3A_27 : vector<1x128xf32>
    %add3A_29 = arith.constant 9.99999974E-6 : f32
    %add3A_30 = vector.broadcast %add3A_29 : f32 to vector<1x128xf32>
    %add3A_31 = arith.addf %div3A_28, %add3A_30 : vector<1x128xf32>
    %rsqrt3A = math.rsqrt %add3A_31 : vector<1x128xf32>
    %mul3A_32 = vector.broadcast %rsqrt3A : vector<1x128xf32> to vector<10000x128xf32>
    %mul3A_33 = arith.mulf %sub3A_21, %mul3A_32 : vector<10000x128xf32>
    %get3A_34 = arith.constant 0 : index
    %get3A_35 = arith.constant 0 : index
    %get3A_36 = vector.load %arg3[%get3A_34, %get3A_35] : memref<1x128xf32, #tpu.memory_space<vmem>>, vector<1x128xf32>
    %mul3A_37 = vector.broadcast %get3A_36 : vector<1x128xf32> to vector<10000x128xf32>
    %mul3A_38 = arith.mulf %mul3A_33, %mul3A_37 : vector<10000x128xf32>
    %get3A_39 = arith.constant 0 : index
    %get3A_40 = arith.constant 0 : index
    %get3A_41 = vector.load %arg4[%get3A_39, %get3A_40] : memref<1x128xf32, #tpu.memory_space<vmem>>, vector<1x128xf32>
    %add3A_42 = vector.broadcast %get3A_41 : vector<1x128xf32> to vector<10000x128xf32>
    %add3A_43 = arith.addf %mul3A_38, %add3A_42 : vector<10000x128xf32>
    %max3A = arith.constant 0.000000e+00 : f32
    %max3A_44 = vector.broadcast %max3A : f32 to vector<10000x128xf32>
    %max3A_45 = arith.maximumf %add3A_43, %max3A_44 : vector<10000x128xf32>
    %swap3A = arith.constant 0 : index
    %swap3A_46 = arith.constant 0 : index
    %swap3A_47 = vector.load %arg5[%swap3A, %swap3A_46] : memref<10000x128xf32, #tpu.memory_space<vmem>>, vector<10000x128xf32>
    tpu.vector_store %arg5[%swap3A, %swap3A_46], %max3A_45 {strides = array<i32>} : memref<10000x128xf32, #tpu.memory_space<vmem>>, vector<10000x128xf32>,
    return
  }
}

</mosaic_0001>

<sc_bundles>
// kernel: kernel.10.cloned.1.call-start
scs
__scs_entry_jumppad:
0x0: {  	(pc) =	sbr.rel $0x88, $3  }
0x1: {  	(tag) =	ssettag $0x0;
	lr =	simm.s32 $0x1  }
0x2: {  	[smem:$0x3F9B] =	sst lr;
	_ =	strace $0xD0000000  }
0x3: {  	_ = 	snop  }
0x4: {  	_ = 	snop  }
0x5: {  	_ = 	snop  }
0x6: {  	_ = 	snop  }
0x7: {  	_ = 	snop  }
__scs_overlays_trampoline_lowered:
0x8: {  	[smem:$0x3FAA] =	sst s0  }
0x9: {  	[smem:$0x3FAB] =	sst s1  }
0xa: {  	[smem:$0x3FAC] =	sst s2  }
0xb: {  	[smem:$0x3FAD] =	sst s3  }
0xc: {  	[smem:$0x3FAE] =	sst s4  }
0xd: {  	[smem:$0x3FAF] =	sst s5  }
0xe: {  	[smem:$0x3FB0] =	sst s6  }
0xf: {  	[smem:$0x3FB1] =	sst s7  }
0x10: {  	[smem:$0x3FB2] =	sst s8  }
0x11: {  	[smem:$0x3FB3] =	sst s9;
	s0 =	simm.s32 @!p0 $0x0  }
0x12: {  	s1 =	sld [smem:$0x3F99];
	s0 =	simm.s32 @p0 $0x1  }
0x13: {  	[smem:$0x3FB4] =	sst s0;
	s0 =	simm.s32 @!p1 $0x0  }
0x14: {  	s2 =	sld [smem:$0x3F98];
	s0 =	simm.s32 @p1 $0x1  }
0x15: {  	[smem:$0x3FB5] =	sst s0;
	s0 =	simm.s32 @!p2 $0x0  }
0x16: {  	s3 =	sld [smem:$0x3FDB];
	s0 =	simm.s32 @p2 $0x1  }
0x17: {  	s4 =	simm.s32 $0x1BF5;
	[smem:$0x3FB7] =	sst s0  }
0x18: {  	s0 =	sld [smem:$0x3F9A];
	_ =	swait.ge [sflag:s4], $0x0  }
0x19: {  	s7 =	sld [smem:$0x3F9B]  }
0x1a: {  	s8 =	sadd.s32 $0xFFFFE003, lr  }
0x1b: {  	s9 =	sadd.s32 $0xFFFFFEF7, lr;
	s5 =	simm.s32 $0xFFFFFFFF;
	p2 =	slt.u32 s8, $0xFFFFF086  }
0x1c: {  	p1 =	slt.u32 s9, $0xF7A;
	s5 =	simm.s32 @!p2 $0x0  }
0x1d: {  	s5 =	simm.s32 @p1 $0x1;
	p0 =	seq.s32 s7, s2  }
0x1e: {  	s7 =	smul.u32 @!p0 $0xF7A, s2;
	p2 =	seq.s32 @!p0 s5, $0x0  }
0x1f: {  	s9 =	smul.u32 $0xF7A, s1;
	s8 =	simm.s32 @!p0 $0x1BF5;
	p2 =	por !p2, p0  }
0x20: {  	[sflag:s8] =	ssyncset.s32 @!p0 $0xFFFFF086;
	s6 =	sadd.s32 @!p0 s3, s7;
	s7 =	simm.s32 @!p0 $0x108  }
0x21: {  	s3 =	sadd.s32 s3, s9;
	s6 =	sadd.s32 @!p0 $0x88, s6;
	s7 =	simm.s32 @p2 $0x1082  }
0x22: {  	[simem:s7], [sflag:s8] =	dma.local @!p0 [hbm:s6], $0xF7A  }
0x23: {  	s9 =	sor.u32 $0xD0000000, s2;
	s6 =	simm.s32 $0x108;
	_ =	swait.ge @!p0 [sflag:s8], $0x0  }
0x24: {  	s3 =	sadd.s32 $0x88, s3;
	s6 =	simm.s32 @!p1 $0x1082;
	[sflag:s4] =	ssyncset.s32 $0xFFFFF086  }
0x25: {  	[simem:s6], [sflag:s4] =	dma.local [hbm:s3], $0xF7A  }
0x26: {  	[smem:$0x3F9B] =	sst s1;
	(tag) =	ssettag s2;
	_ =	strace s9  }
0x27: {  	s1 =	sld [smem:$0x3FAB]  }
0x28: {  	s2 =	sld [smem:$0x3FAC]  }
0x29: {  	s4 =	sld [smem:$0x3FAE]  }
0x2a: {  	p0 =	seq.s32 s5, $0x0;
	s5 =	sld [smem:$0x3FAF]  }
0x2b: {  	s6 =	sld [smem:$0x3FB0]  }
0x2c: {  	s7 =	sld [smem:$0x3FB1]  }
0x2d: {  	s3 =	simm.s32 $0x108;
	s8 =	sld [smem:$0x3FB2]  }
0x2e: {  	s3 =	simm.s32 @!p0 $0x1082;
	s9 =	sld [smem:$0x3FB3]  }
0x2f: {  	lr =	sadd.s32 s0, s3;
	s0 =	sld [smem:$0x3FAA]  }
0x30: {  	s3 =	sld [smem:$0x3FAD]  }
0x31: {  	[smem:$0x3FB6] =	sst s10  }
0x32: {  	s10 =	sld [smem:$0x3FB4];
	_ =	sdelay $0x3  }
0x33: {  	p0 =	seq.s32 s10, $0x1;
	s10 =	sld [smem:$0x3FB6];
	_ =	sdelay $0x3  }
0x34: {  	[smem:$0x3FB6] =	sst s10  }
0x35: {  	s10 =	sld [smem:$0x3FB5];
	_ =	sdelay $0x3  }
0x36: {  	p1 =	seq.s32 s10, $0x1;
	s10 =	sld [smem:$0x3FB6];
	_ =	sdelay $0x3  }
0x37: {  	[smem:$0x3FB6] =	sst s10  }
0x38: {  	s10 =	sld [smem:$0x3FB7]  }
0x39: {  	_ = 	snop;
	(pc) =	sbr.ind lr, $3  }
0x3a: {  	_ = 	snop  }
0x3b: {  	_ = 	snop  }
0x3c: {  	p2 =	seq.s32 s10, $0x1;
	s10 =	sld [smem:$0x3FB6]  }
0x3d: {  	_ =	shalt  }
0x3e: {  	_ =	shalt  }
0x3f: {  	_ =	shalt  }
0x40: {  	_ =	shalt  }
0x41: {  	_ =	shalt  }
0x42: {  	_ =	shalt  }
0x43: {  	_ =	shalt  }
0x44: {  	_ =	shalt  }
0x45: {  	_ =	shalt  }
0x46: {  	_ =	shalt  }
0x47: {  	_ =	shalt  }
0x48: {  	_ =	shalt  }
0x49: {  	_ =	shalt  }
0x4a: {  	_ =	shalt  }
0x4b: {  	_ =	shalt  }
0x4c: {  	_ =	shalt  }
0x4d: {  	_ =	shalt  }
0x4e: {  	_ =	shalt  }
0x4f: {  	_ =	shalt  }
0x50: {  	_ =	shalt  }
0x51: {  	_ =	shalt  }
0x52: {  	_ =	shalt  }
0x53: {  	_ =	shalt  }
0x54: {  	_ =	shalt  }
0x55: {  	_ =	shalt  }
0x56: {  	_ =	shalt  }
0x57: {  	_ =	shalt  }
0x58: {  	_ =	shalt  }
0x59: {  	_ =	shalt  }
0x5a: {  	_ =	shalt  }
0x5b: {  	_ =	shalt  }
0x5c: {  	_ =	shalt  }
0x5d: {  	_ =	shalt  }
0x5e: {  	_ =	shalt  }
0x5f: {  	_ =	shalt  }
0x60: {  	_ =	shalt  }
0x61: {  	_ =	shalt  }
0x62: {  	_ =	shalt  }
0x63: {  	_ =	shalt  }
0x64: {  	_ =	shalt  }
0x65: {  	_ =	shalt  }
0x66: {  	_ =	shalt  }
0x67: {  	_ =	shalt  }
0x68: {  	_ =	shalt  }
0x69: {  	_ =	shalt  }
0x6a: {  	_ =	shalt  }
0x6b: {  	_ =	shalt  }
0x6c: {  	_ =	shalt  }
0x6d: {  	_ =	shalt  }
0x6e: {  	_ =	shalt  }
0x6f: {  	_ =	shalt  }
0x70: {  	_ =	shalt  }
0x71: {  	_ =	shalt  }
0x72: {  	_ =	shalt  }
0x73: {  	_ =	shalt  }
0x74: {  	_ =	shalt  }
0x75: {  	_ =	shalt  }
0x76: {  	_ =	shalt  }
0x77: {  	_ =	shalt  }
0x78: {  	_ =	shalt  }
0x79: {  	_ =	shalt  }
0x7a: {  	_ =	shalt  }
0x7b: {  	_ =	shalt  }
0x7c: {  	_ =	shalt  }
0x7d: {  	_ =	shalt  }
0x7e: {  	_ =	shalt  }
0x7f: {  	_ =	shalt  }
0x80: {  	_ =	shalt  }
0x81: {  	_ =	shalt  }
0x82: {  	_ =	shalt  }
0x83: {  	_ =	shalt  }
0x84: {  	_ =	shalt  }
0x85: {  	_ =	shalt  }
0x86: {  	_ =	shalt  }
0x87: {  	_ =	shalt  }
.Lfunc_end0:
.L_simem_size_0:
called_computation.1_lowered:
.L_overlay_start_0:
0x88: {  	s2 =	sld [smem:$0x3FD9]  }
0x89: {  	s3 =	sld [smem:$0x3FFE];
	_ =	sdelay $0x1  }
0x8a: {  	s1 =	srdreg.scid  }
0x8b: {  	s0 =	sand.u32 $0x1, s1  }
0x8c: {  	s17 =	sshll.u32 s0, $0xA;
	s2 =	sadd.s32 s3, s2  }
0x8d: {  	s2 =	sadd.s32 s2, s17  }
0x8e: {  	[smem:$0x3FC2] =	sst s2  }
0x8f: {  	_ = 	snop  }
0x90: {  	s2 =	sld [smem:$0x3FD0];
	(tm) =	ssettm $0x1  }
0x91: {  	s18 =	sld [smem:$0x3FFB];
	_ =	sdelay $0x3  }
0x92: {  	_ =	strace s18  }
0x93: {  	s3 =	sld [smem:$0x3FFC];
	_ =	sdelay $0x3  }
0x94: {  	_ =	strace s3  }
0x95: {  	s3 =	sld [smem:$0x3FFD];
	_ =	sdelay $0x3  }
0x96: {  	_ =	strace s3  }
0x97: {  	_ =	strace $0x8FFFFFFF  }
0x98: {  	s19 =	sld [smem:$0x3FDB];
	_ =	sdelay $0x1  }
0x99: {  	s4 =	simm.s32 $_scs_section_size  }
0x9a: {  	s5 =	simm.s32 $_size__tile_overlayer_lowered;
	s6 =	simm.s32 $_tile_overlayer_lowered  }
0x9b: {  	s22 =	simm.s32 $0x1BFF;
	s21 =	sshll.u32 s6, $0x1;
	s3 =	sadd.s32 s4, s19  }
0x9c: {  	s7 =	simm.s32 $0x0;
	s20 =	sshll.u32 s5, $0x1;
	s5 =	sadd.s32 s21, s3  }
0x9d: {  	[timem:s7], [sflag:s22] =	dma.local [hbm:s5], s20  }
0x9e: {  	_ =	swait.ge [sflag:s22], s20  }
0x9f: {  	s4 =	ssub.s32 $0x0, s20;
	[sflag:s22] =	ssyncset.done $0x0  }
0xa0: {  	[sflag:s22] =	ssyncadd.s32 s4;
	_ =	sdelay $0x1  }
0xa1: {  	s23 =	simm.s32 $0x1B8B  }
0xa2: {  	_ =	swait.ge [sflag:s23], $0x1  }
0xa3: {  	[sflag:s23] =	ssyncset.done $0x0  }
0xa4: {  	s25 =	simm.s32 $0x1B8E;
	s24 =	sld [smem:$0x3FFE];
	[sflag:s23] =	ssyncadd.s32 $0xFFFFFFFF  }
0xa5: {  	s26 =	simm.s32 $execute0_lowered;
	[smem:$0x3FD2] =	sst s25  }
0xa6: {  	s5 =	sshll.u32 s26, $0x1;
	_ =	strace $0x80000049;
	[dreg:$0x1] =	wrdreg $0xFFFFFFFF  }
0xa7: {  	s28 =	simm.s32 $_size_execute0_lowered;
	s3 =	sadd.s32 s3, s5;
	[dreg:$0x0] =	wrdreg $0x0  }
0xa8: {  	s5 =	sshll.u32 s28, $0x1;
	[dreg:$0x2] =	wrdreg s3  }
0xa9: {  	[dreg:$0x3] =	wrdreg s5  }
0xaa: {  	[dreg:$0x4] =	wrdreg $0xC0  }
0xab: {  	_ =	task [dreg:s7], $0x5FFFF  }
0xac: {  	[dreg:$0x1] =	wrdreg $0xFFFFFFFF  }
0xad: {  	[dreg:$0x0] =	wrdreg $0x60  }
0xae: {  	[dreg:$0x2] =	wrdreg s24  }
0xaf: {  	[dreg:$0x3] =	wrdreg s2  }
0xb0: {  	[dreg:$0x4] =	wrdreg $0xAF000  }
0xb1: {  	[dreg:$0x5] =	wrdreg $0x9  }
0xb2: {  	_ =	task.clear_ibuf [dreg:s7], $0x6FFFF;
	_ =	strace $0x90000049  }
0xb3: {  	s29 =	simm.s32 $0x9;
	_ =	strace $0x8000004B  }
0xb4: {  	_ =	swait.ge [sflag:s29], $0x1  }
0xb5: {  	[sflag:s29] =	ssyncadd.s32 $0xFFFFFFFF  }
0xb6: {  	_ =	strace $0x9000004B  }
0xb7: {  	_ =	sfence  }
0xb8: {  	s30 =	sld [smem:$0x0];
	_ =	sdelay $0x2  }
0xb9: {  	s31 =	sshll.u32 s1, $0xD;
	s1 =	sshrl.u32 s1, $0x2  }
0xba: {  	s3 =	sand.u32 $0x4000, s31;
	s1 =	sadd.s32 s1, s30  }
0xbb: {  	s0 =	sor.u32 s3, s0;
	s1 =	sshll.u32 s1, $0x11  }
0xbc: {  	s0 =	sor.u32 s1, s0  }
0xbd: {  	s0 =	sadd.s32 $0x8F2B, s0  }
0xbe: {  	[sflag:s0] =	ssyncadd.remote.s32 $0x1  }
0xbf: {  	_ =	sfence.sel $0xFFFF  }
0xc0: {  	[dreg:$0x0] =	wrdreg $0xFFFFFFFF;
	(pc) =	sbr.abs _section_cstart, $3  }
0xc1: {  	[dreg:$0x1] =	wrdreg $0xFFFFFFFF  }
0xc2: {  	_ =	task.clear_ibuf [dreg:s7], $0x2FFFF;
	_ =	strace $0x9FFFFFFF  }
0xc3: {  	(tm) =	ssettm $0x7FFFFFFF  }
tec
execute0_lowered:
.L_overlay_start_1:
0x0: {  	(tag) =	ssettag $0x1  }
0x1: {  	s4 =	rddreg [dreg:$0x0]  }
0x2: {  	s0 =	srdreg.scid;
	s2 =	rddreg [dreg:$0x1]  }
0x3: {  	s10 =	stileid.u32;
	s3 =	rddreg [dreg:$0x2];
	s8 =	simm.s32 $0x0  }
0x4: {  	s19 =	simm.s32 $0x80;
	s28 =	simm.s32 $0x6F00;
	s30 =	simm.s32 $0x7F00  }
0x5: {  	s31 =	simm.s32 $0x8F00;
	s29 =	simm.s32 $0x2;
	s0 =	sand.u32 $0x1, s0  }
0x6: {  	s5 =	sshll.u32 s10, $0x7;
	s7 =	smul.u32 $0x14000, s10;
	[smem:$0x7FF] =	sst s8  }
0x7: {  	p1 =	sne.s32 s10, $0xF;
	p2 =	seq.s32 s10, $0xF;
	s22 =	smul.u32 $0x50000, s10  }
0x8: {  	s25 =	smul.u32 $0x2800, s10;
	s9 =	sadd.s32 $0x25800, s2;
	s1 =	sshll.u32 s0, $0x4  }
0x9: {  	s6 =	smul.u32 $0x140000, s0;
	s5 =	sand.u32 $0x380, s5;
	_ =	strace $0x8000004A  }
0xa: {  	s21 =	ssub.s32 $0x2, s0;
	p0 =	seq.s32 s0, $0x0;
	[dreg:$0x4] =	wrdreg s9  }
0xb: {  	s9 =	sadd.s32 $0x138800, s3;
	s1 =	sor.u32 s10, s1;
	p1 =	por !p0, !p1  }
0xc: {  	p2 =	por !p0, !p2;
	s23 =	sshrl.u32 s21, $0x1;
	s24 =	sshrl.u32 s22, $0x2  }
0xd: {  	s22 =	simm.s32 $0x9F00;
	s1 =	sshrl.u32 s1, $0x3;
	s20 =	sadd.s32 s7, s6  }
0xe: {  	p0 =	por !p1, !p1;
	p2 =	por !p2, !p2;
	s8 =	ssub.s32 s21, s23  }
0xf: {  	s7 =	sadd.s32 s2, s25;
	s21 =	simm.s32 $0x7;
	s23 =	simm.s32 $0x20  }
0x10: {  	s25 =	simm.s32 $0x5F00;
	s1 =	smul.u32 $0x13C00, s1;
	s6 =	sshrl.u32 s20, $0x3  }
0x11: {  	p1 =	por p2, p0;
	[dreg:$0x5] =	wrdreg s7;
	s12 =	smax.u32 s8, $0x1  }
0x12: {  	s20 =	simm.s32 $0x400;
	s7 =	simm.s32 $0x6;
	s8 =	simm.s32 $0x0  }
0x13: {  	p1 =	seq.s32 @!p1 s0, $0x0;
	s0 =	sadd.s32 $0x12C000, s3;
	s1 =	sor.u32 s5, s1  }
0x14: {  	s5 =	sadd.s32 $0x15400, s4;
	p1 =	por @!p0 p1, p2;
	p2 =	por !p2, p0  }
0x15: {  	s1 =	sshrl.u32 s1, $0x3;
	p1 =	por p1, p0;
	s15 =	sshrl.u32 @!p2 s0, $0x3  }
0x16: {  	s16 =	sshrl.u32 @!p2 s9, $0x3;
	s0 =	simm.s32 $0x4;
	s1 =	sadd.s32 s1, s4  }
0x17: {  	s4 =	sadd.s32 s6, s4;
	s6 =	sadd.s32 s24, s3;
	s26 =	sadd.s32 $0xB600, s1  }
0x18: {  	s24 =	simm.s32 $0x4F00;
	s1 =	sadd.s32 $0x1200, s1;
	[dreg:$0x6] =	wrdreg s26  }
0x19: {  	s4 =	sadd.s32 $0x17C00, s4;
	s14 =	sshrl.u32 @!p1 s6, $0x3;
	[dreg:$0x7] =	wrdreg s1  }
0x1a: {  	s18 =	sshrl.u32 @p0 s6, $0x3;
	s1 =	sshll.u32 @!p1 s10, $0x6;
	[dreg:$0x8] =	wrdreg s4  }
0x1b: {  	s26 =	simm.s32 $0x1;
	s13 =	sor.u32 @!p1 $0x1C07, s1;
	s1 =	sshll.u32 @p0 s10, $0x6  }
0x1c: {  	s4 =	simm.s32 $0x5;
	s17 =	sor.u32 @p0 $0x1C07, s1;
	s1 =	simm.s32 $0x3  }
.LBB2_1:
0x1d: {  	[spmem:s14], [sflag:s13] =	dma.local @!p1 [hbm:s5], $0x2800  }
0x1e: {  	s9 =	simm.s32 @!p1 $0x7  }
0x1f: {  	_ =	swait.ge @!p1 [sflag:s9], $0x2800  }
0x20: {  	[sflag:s9] =	ssyncset.done @!p1 $0x0  }
0x21: {  	s10 =	rddreg [dreg:$0x4];
	[sflag:s9] =	ssyncadd.s32 @!p1 $0xFFFFD800;
	s9 =	simm.s32 @!p2 $0x1FC7  }
0x22: {  	[spmem:s15], [sflag:s9] =	dma.local @!p2 [hbm:s10], $0x1900  }
0x23: {  	s10 =	simm.s32 @!p2 $0x7  }
0x24: {  	_ =	swait.ge @!p2 [sflag:s10], $0x1900  }
0x25: {  	[sflag:s10] =	ssyncset.done @!p2 $0x0  }
0x26: {  	[sflag:s10] =	ssyncadd.s32 @!p2 $0xFFFFE700  }
0x27: {  	[spmem:s16], [sflag:s9] =	dma.local @!p2 [hbm:s5], $0xF00  }
0x28: {  	_ =	swait.ge @!p2 [sflag:s10], $0xF00  }
0x29: {  	[sflag:s10] =	ssyncset.done @!p2 $0x0  }
0x2a: {  	s9 =	rddreg [dreg:$0x5];
	[sflag:s10] =	ssyncadd.s32 @!p2 $0xFFFFF100  }
0x2b: {  	[spmem:s18], [sflag:s17] =	dma.local @p0 [hbm:s9], $0x2800  }
0x2c: {  	s9 =	simm.s32 @p0 $0x7  }
0x2d: {  	_ =	swait.ge @p0 [sflag:s9], $0x2800  }
0x2e: {  	[sflag:s9] =	ssyncset.done @p0 $0x0  }
0x2f: {  	s11 =	rddreg [dreg:$0x6];
	[sflag:s9] =	ssyncadd.s32 @p0 $0xFFFFD800;
	s9 =	simm.s32 $0x0  }
0x30: {  	[tilespmem:s9], [sflag:$0x7] =	stream.strided.gather [hbm4b:s11+s19], $0x2780, s20, s19, $0x38;
	[tilespmem:$0x1EF00] =	vst v63  }
0x31: {  	_ =	swait.ge [sflag:s21], $0x2780  }
0x32: {  	[sflag:s21] =	ssyncset.done $0x0  }
0x33: {  	s11 =	simm.s32 $0x2780;
	s10 =	rddreg [dreg:$0x7];
	[sflag:s21] =	ssyncadd.s32 $0xFFFFD880  }
0x34: {  	[tilespmem:s11], [sflag:$0x7] =	stream.strided.gather [hbm4b:s10+s19], $0x2780, s20, s19, $0x38;
	[tilespmem:$0x1EF00] =	vst v63  }
0x35: {  	_ =	swait.ge [sflag:s21], $0x2780  }
0x36: {  	[sflag:s21] =	ssyncset.done $0x0  }
0x37: {  	[sflag:s21] =	ssyncadd.s32 $0xFFFFD880  }
0x38: {  	[bflag:$0x0] =	sbarrier.arrive $0xFFFF  }
0x39: {  	[tilespmem:s24], [sflag:$0x1] =	stream.indirect.gather [hbm4b:s2+s23], $0x80, s9, s23, $0xb8;
	[tilespmem:$0x1EF00] =	vst v63  }
0x3a: {  	_ = 	snop  }
0x3b: {  	[tilespmem:s25], [sflag:$0x2] =	stream.indirect.gather [hbm4b:s2+s23], $0x80, s23, s23, $0xb8;
	[tilespmem:$0x1EF00] =	vst v63  }
0x3c: {  	s10 =	simm.s32 $0x40  }
0x3d: {  	[tilespmem:s28], [sflag:$0x3] =	stream.indirect.gather [hbm4b:s2+s23], $0x80, s10, s23, $0xb8;
	[tilespmem:$0x1EF00] =	vst v63  }
0x3e: {  	s11 =	simm.s32 $0x60  }
0x3f: {  	[tilespmem:s30], [sflag:$0x4] =	stream.indirect.gather [hbm4b:s2+s23], $0x80, s11, s23, $0xb8;
	[tilespmem:$0x1EF00] =	vst v63  }
0x40: {  	_ = 	snop  }
0x41: {  	[tilespmem:s31], [sflag:$0x5] =	stream.indirect.gather [hbm4b:s2+s23], $0x80, s19, s23, $0xb8;
	[tilespmem:$0x1EF00] =	vst v63  }
0x42: {  	s10 =	simm.s32 $0xA0  }
0x43: {  	[tilespmem:s22], [sflag:$0x6] =	stream.indirect.gather [hbm4b:s2+s23], $0x80, s10, s23, $0xb8;
	[tilespmem:$0x1EF00] =	vst v63  }
0x44: {  	_ =	swait.ge [sflag:s26], $0x1000  }
0x45: {  	[sflag:s26] =	ssyncset.done $0x0  }
0x46: {  	s11 =	simm.s32 $0x2780;
	[sflag:s26] =	ssyncadd.s32 $0xFFFFF000  }
0x47: {  	[spmem:s3] =	stream.indirect.scatter.add.f32 [tilespmem:s24], [sflag:$0x7], $0x80, s11, s23, $0xb8;
	[tilespmem:$0x1EF00] =	vst v63  }
0x48: {  	_ =	swait.ge [sflag:s21], $0x1000  }
0x49: {  	[sflag:s21] =	ssyncset.done $0x0  }
0x4a: {  	s10 =	simm.s32 $0xC0;
	[sflag:s21] =	ssyncadd.s32 $0xFFFFF000  }
0x4b: {  	[tilespmem:s24], [sflag:$0x1] =	stream.indirect.gather [hbm4b:s2+s23], $0x80, s10, s23, $0xb8;
	[tilespmem:$0x1EF00] =	vst v63  }
0x4c: {  	_ =	swait.ge [sflag:s29], $0x1000  }
0x4d: {  	[sflag:s29] =	ssyncset.done $0x0  }
0x4e: {  	s11 =	simm.s32 $0x27A0;
	[sflag:s29] =	ssyncadd.s32 $0xFFFFF000  }
0x4f: {  	[spmem:s3] =	stream.indirect.scatter.add.f32 [tilespmem:s25], [sflag:$0x7], $0x80, s11, s23, $0xb8;
	[tilespmem:$0x1EF00] =	vst v63  }
0x50: {  	_ =	swait.ge [sflag:s21], $0x1000  }
0x51: {  	[sflag:s21] =	ssyncset.done $0x0  }
0x52: {  	s10 =	simm.s32 $0xE0;
	[sflag:s21] =	ssyncadd.s32 $0xFFFFF000  }
0x53: {  	[tilespmem:s25], [sflag:$0x2] =	stream.indirect.gather [hbm4b:s2+s23], $0x80, s10, s23, $0xb8;
	[tilespmem:$0x1EF00] =	vst v63  }
0x54: {  	_ =	swait.ge [sflag:s1], $0x1000  }
0x55: {  	[sflag:s1] =	ssyncset.done $0x0  }
0x56: {  	s11 =	simm.s32 $0x27C0;
	[sflag:s1] =	ssyncadd.s32 $0xFFFFF000  }
0x57: {  	[spmem:s3] =	stream.indirect.scatter.add.f32 [tilespmem:s28], [sflag:$0x7], $0x80, s11, s23, $0xb8;
	[tilespmem:$0x1EF00] =	vst v63  }
0x58: {  	_ =	swait.ge [sflag:s21], $0x1000  }
0x59: {  	[sflag:s21] =	ssyncset.done $0x0  }
0x5a: {  	s10 =	simm.s32 $0x100;
	[sflag:s21] =	ssyncadd.s32 $0xFFFFF000  }
0x5b: {  	[tilespmem:s28], [sflag:$0x3] =	stream.indirect.gather [hbm4b:s2+s23], $0x80, s10, s23, $0xb8;
	[tilespmem:$0x1EF00] =	vst v63  }
0x5c: {  	_ =	swait.ge [sflag:s0], $0x1000  }
0x5d: {  	[sflag:s0] =	ssyncset.done $0x0  }
0x5e: {  	s11 =	simm.s32 $0x27E0;
	[sflag:s0] =	ssyncadd.s32 $0xFFFFF000  }
0x5f: {  	[spmem:s3] =	stream.indirect.scatter.add.f32 [tilespmem:s30], [sflag:$0x7], $0x80, s11, s23, $0xb8;
	[tilespmem:$0x1EF00] =	vst v63  }
0x60: {  	_ =	swait.ge [sflag:s21], $0x1000  }
0x61: {  	[sflag:s21] =	ssyncset.done $0x0  }
0x62: {  	s10 =	simm.s32 $0x120;
	[sflag:s21] =	ssyncadd.s32 $0xFFFFF000  }
0x63: {  	[tilespmem:s30], [sflag:$0x4] =	stream.indirect.gather [hbm4b:s2+s23], $0x80, s10, s23, $0xb8;
	[tilespmem:$0x1EF00] =	vst v63  }
0x64: {  	_ =	swait.ge [sflag:s4], $0x1000  }
0x65: {  	[sflag:s4] =	ssyncset.done $0x0  }
0x66: {  	s11 =	simm.s32 $0x2800;
	[sflag:s4] =	ssyncadd.s32 $0xFFFFF000  }
0x67: {  	[spmem:s3] =	stream.indirect.scatter.add.f32 [tilespmem:s31], [sflag:$0x7], $0x80, s11, s23, $0xb8;
	[tilespmem:$0x1EF00] =	vst v63  }
0x68: {  	_ =	swait.ge [sflag:s21], $0x1000  }
0x69: {  	[sflag:s21] =	ssyncset.done $0x0  }
0x6a: {  	s10 =	simm.s32 $0x140;
	[sflag:s21] =	ssyncadd.s32 $0xFFFFF000  }
0x6b: {  	[tilespmem:s31], [sflag:$0x5] =	stream.indirect.gather [hbm4b:s2+s23], $0x80, s10, s23, $0xb8;
	[tilespmem:$0x1EF00] =	vst v63  }
0x6c: {  	_ =	swait.ge [sflag:s7], $0x1000  }
0x6d: {  	[sflag:s7] =	ssyncset.done $0x0  }
0x6e: {  	s11 =	simm.s32 $0x2820;
	[sflag:s7] =	ssyncadd.s32 $0xFFFFF000  }
0x6f: {  	[spmem:s3] =	stream.indirect.scatter.add.f32 [tilespmem:s22], [sflag:$0x7], $0x80, s11, s23, $0xb8;
	[tilespmem:$0x1EF00] =	vst v63  }
0x70: {  	_ =	swait.ge [sflag:s21], $0x1000  }
0x71: {  	[sflag:s21] =	ssyncset.done $0x0  }
0x72: {  	s9 =	simm.s32 $0x300;
	s10 =	simm.s32 $0x160;
	[sflag:s21] =	ssyncadd.s32 $0xFFFFF000  }
.LBB2_2:
0x73: {  	[tilespmem:s22], [sflag:$0x6] =	stream.indirect.gather [hbm4b:s2+s23], $0x80, s10, s23, $0xb8;
	[tilespmem:$0x1EF00] =	vst v63  }
0x74: {  	s10 =	smov.u32 s9  }
0x75: {  	p3 =	sne.s32 s9, $0x9600;
	s9 =	sadd.s32 $0x300, s9;
	_ =	swait.ge [sflag:s26], $0x1000  }
0x76: {  	s10 =	sshra.s32 s10, $0x2;
	[sflag:s26] =	ssyncset.done $0x0  }
0x77: {  	s11 =	sadd.s32 $0x2780, s10;
	[sflag:s26] =	ssyncadd.s32 $0xFFFFF000  }
0x78: {  	[spmem:s3] =	stream.indirect.scatter.add.f32 [tilespmem:s24], [sflag:$0x7], $0x80, s11, s23, $0xb8;
	[tilespmem:$0x1EF00] =	vst v63  }
0x79: {  	_ =	swait.ge [sflag:s21], $0x1000  }
0x7a: {  	[sflag:s21] =	ssyncset.done $0x0  }
0x7b: {  	s11 =	sadd.s32 $0xC0, s10;
	[sflag:s21] =	ssyncadd.s32 $0xFFFFF000  }
0x7c: {  	[tilespmem:s24], [sflag:$0x1] =	stream.indirect.gather [hbm4b:s2+s23], $0x80, s11, s23, $0xb8;
	[tilespmem:$0x1EF00] =	vst v63  }
0x7d: {  	_ =	swait.ge [sflag:s29], $0x1000  }
0x7e: {  	[sflag:s29] =	ssyncset.done $0x0  }
0x7f: {  	s11 =	sadd.s32 $0x27A0, s10;
	[sflag:s29] =	ssyncadd.s32 $0xFFFFF000  }
0x80: {  	[spmem:s3] =	stream.indirect.scatter.add.f32 [tilespmem:s25], [sflag:$0x7], $0x80, s11, s23, $0xb8;
	[tilespmem:$0x1EF00] =	vst v63  }
0x81: {  	_ =	swait.ge [sflag:s21], $0x1000  }
0x82: {  	[sflag:s21] =	ssyncset.done $0x0  }
0x83: {  	s11 =	sadd.s32 $0xE0, s10;
	[sflag:s21] =	ssyncadd.s32 $0xFFFFF000  }
0x84: {  	[tilespmem:s25], [sflag:$0x2] =	stream.indirect.gather [hbm4b:s2+s23], $0x80, s11, s23, $0xb8;
	[tilespmem:$0x1EF00] =	vst v63  }
0x85: {  	_ =	swait.ge [sflag:s1], $0x1000  }
0x86: {  	[sflag:s1] =	ssyncset.done $0x0  }
0x87: {  	s11 =	sadd.s32 $0x27C0, s10;
	[sflag:s1] =	ssyncadd.s32 $0xFFFFF000  }
0x88: {  	[spmem:s3] =	stream.indirect.scatter.add.f32 [tilespmem:s28], [sflag:$0x7], $0x80, s11, s23, $0xb8;
	[tilespmem:$0x1EF00] =	vst v63  }
0x89: {  	_ =	swait.ge [sflag:s21], $0x1000  }
0x8a: {  	[sflag:s21] =	ssyncset.done $0x0  }
0x8b: {  	s11 =	sadd.s32 $0x100, s10;
	[sflag:s21] =	ssyncadd.s32 $0xFFFFF000  }
0x8c: {  	[tilespmem:s28], [sflag:$0x3] =	stream.indirect.gather [hbm4b:s2+s23], $0x80, s11, s23, $0xb8;
	[tilespmem:$0x1EF00] =	vst v63  }
0x8d: {  	_ =	swait.ge [sflag:s0], $0x1000  }
0x8e: {  	[sflag:s0] =	ssyncset.done $0x0  }
0x8f: {  	s11 =	sadd.s32 $0x27E0, s10;
	[sflag:s0] =	ssyncadd.s32 $0xFFFFF000  }
0x90: {  	[spmem:s3] =	stream.indirect.scatter.add.f32 [tilespmem:s30], [sflag:$0x7], $0x80, s11, s23, $0xb8;
	[tilespmem:$0x1EF00] =	vst v63  }
0x91: {  	_ =	swait.ge [sflag:s21], $0x1000  }
0x92: {  	[sflag:s21] =	ssyncset.done $0x0  }
0x93: {  	s11 =	sadd.s32 $0x120, s10;
	[sflag:s21] =	ssyncadd.s32 $0xFFFFF000  }
0x94: {  	[tilespmem:s30], [sflag:$0x4] =	stream.indirect.gather [hbm4b:s2+s23], $0x80, s11, s23, $0xb8;
	[tilespmem:$0x1EF00] =	vst v63  }
0x95: {  	_ =	swait.ge [sflag:s4], $0x1000  }
0x96: {  	[sflag:s4] =	ssyncset.done $0x0  }
0x97: {  	s11 =	sadd.s32 $0x2800, s10;
	[sflag:s4] =	ssyncadd.s32 $0xFFFFF000  }
0x98: {  	[spmem:s3] =	stream.indirect.scatter.add.f32 [tilespmem:s31], [sflag:$0x7], $0x80, s11, s23, $0xb8;
	[tilespmem:$0x1EF00] =	vst v63  }
0x99: {  	_ =	swait.ge [sflag:s21], $0x1000  }
0x9a: {  	[sflag:s21] =	ssyncset.done $0x0  }
0x9b: {  	s11 =	sadd.s32 $0x140, s10;
	[sflag:s21] =	ssyncadd.s32 $0xFFFFF000  }
0x9c: {  	[tilespmem:s31], [sflag:$0x5] =	stream.indirect.gather [hbm4b:s2+s23], $0x80, s11, s23, $0xb8;
	[tilespmem:$0x1EF00] =	vst v63  }
0x9d: {  	_ =	swait.ge [sflag:s7], $0x1000  }
0x9e: {  	[sflag:s7] =	ssyncset.done $0x0  }
.Ltmp0:
0x9f: {  	s11 =	sadd.s32 $0x2820, s10;
	[sflag:s7] =	ssyncadd.s32 $0xFFFFF000;
	(pc) =	sbr.rel @p3 .LBB2_2-.Ltmp0, $4  }
0xa0: {  	[spmem:s3] =	stream.indirect.scatter.add.f32 [tilespmem:s22], [sflag:$0x7], $0x80, s11, s23, $0xb8;
	[tilespmem:$0x1EF00] =	vst v63  }
0xa1: {  	_ =	swait.ge [sflag:s21], $0x1000  }
0xa2: {  	[sflag:s21] =	ssyncset.done $0x0  }
0xa3: {  	s10 =	sadd.s32 $0x160, s10;
	[sflag:s21] =	ssyncadd.s32 $0xFFFFF000  }
0xa4: {  	[tilespmem:s22], [sflag:$0x6] =	stream.indirect.gather [hbm4b:s2+s23], $0x80, s10, s23, $0xb8;
	[tilespmem:$0x1EF00] =	vst v63  }
0xa5: {  	_ =	swait.ge [sflag:s26], $0x1000  }
0xa6: {  	[sflag:s26] =	ssyncset.done $0x0  }
0xa7: {  	s9 =	simm.s32 $0x4DC0;
	[sflag:s26] =	ssyncadd.s32 $0xFFFFF000  }
0xa8: {  	[spmem:s3] =	stream.indirect.scatter.add.f32 [tilespmem:s24], [sflag:$0x7], $0x80, s9, s23, $0xb8;
	[tilespmem:$0x1EF00] =	vst v63  }
0xa9: {  	_ =	swait.ge [sflag:s21], $0x1000  }
0xaa: {  	[sflag:s21] =	ssyncset.done $0x0  }
0xab: {  	s10 =	simm.s32 $0x2700;
	[sflag:s21] =	ssyncadd.s32 $0xFFFFF000  }
0xac: {  	[tilespmem:s24], [sflag:$0x1] =	stream.indirect.gather [hbm4b:s2+s23], $0x80, s10, s23, $0xb8;
	[tilespmem:$0x1EF00] =	vst v63  }
0xad: {  	_ =	swait.ge [sflag:s29], $0x1000  }
0xae: {  	[sflag:s29] =	ssyncset.done $0x0  }
0xaf: {  	s11 =	simm.s32 $0x4DE0;
	[sflag:s29] =	ssyncadd.s32 $0xFFFFF000  }
0xb0: {  	[spmem:s3] =	stream.indirect.scatter.add.f32 [tilespmem:s25], [sflag:$0x7], $0x80, s11, s23, $0xb8;
	[tilespmem:$0x1EF00] =	vst v63  }
0xb1: {  	_ =	swait.ge [sflag:s21], $0x1000  }
0xb2: {  	[sflag:s21] =	ssyncset.done $0x0  }
0xb3: {  	s10 =	simm.s32 $0x2720;
	[sflag:s21] =	ssyncadd.s32 $0xFFFFF000  }
0xb4: {  	[tilespmem:s25], [sflag:$0x2] =	stream.indirect.gather [hbm4b:s2+s23], $0x80, s10, s23, $0xb8;
	[tilespmem:$0x1EF00] =	vst v63  }
0xb5: {  	_ =	swait.ge [sflag:s1], $0x1000  }
0xb6: {  	[sflag:s1] =	ssyncset.done $0x0  }
0xb7: {  	s11 =	simm.s32 $0x4E00;
	[sflag:s1] =	ssyncadd.s32 $0xFFFFF000  }
0xb8: {  	[spmem:s3] =	stream.indirect.scatter.add.f32 [tilespmem:s28], [sflag:$0x7], $0x80, s11, s23, $0xb8;
	[tilespmem:$0x1EF00] =	vst v63  }
0xb9: {  	_ =	swait.ge [sflag:s21], $0x1000  }
0xba: {  	[sflag:s21] =	ssyncset.done $0x0  }
0xbb: {  	s10 =	simm.s32 $0x2740;
	[sflag:s21] =	ssyncadd.s32 $0xFFFFF000  }
0xbc: {  	[tilespmem:s28], [sflag:$0x3] =	stream.indirect.gather [hbm4b:s2+s23], $0x80, s10, s23, $0xb8;
	[tilespmem:$0x1EF00] =	vst v63  }
0xbd: {  	_ =	swait.ge [sflag:s0], $0x1000  }
0xbe: {  	[sflag:s0] =	ssyncset.done $0x0  }
0xbf: {  	s11 =	simm.s32 $0x4E20;
	[sflag:s0] =	ssyncadd.s32 $0xFFFFF000  }
0xc0: {  	[spmem:s3] =	stream.indirect.scatter.add.f32 [tilespmem:s30], [sflag:$0x7], $0x80, s11, s23, $0xb8;
	[tilespmem:$0x1EF00] =	vst v63  }
0xc1: {  	_ =	swait.ge [sflag:s21], $0x1000  }
0xc2: {  	[sflag:s21] =	ssyncset.done $0x0  }
0xc3: {  	s10 =	simm.s32 $0x2760;
	[sflag:s21] =	ssyncadd.s32 $0xFFFFF000  }
0xc4: {  	[tilespmem:s30], [sflag:$0x4] =	stream.indirect.gather [hbm4b:s2+s23], $0x80, s10, s23, $0xb8;
	[tilespmem:$0x1EF00] =	vst v63  }
0xc5: {  	_ =	swait.ge [sflag:s4], $0x1000  }
0xc6: {  	[sflag:s4] =	ssyncset.done $0x0  }
0xc7: {  	s11 =	simm.s32 $0x4E40;
	[sflag:s4] =	ssyncadd.s32 $0xFFFFF000  }
0xc8: {  	[spmem:s3] =	stream.indirect.scatter.add.f32 [tilespmem:s31], [sflag:$0x7], $0x80, s11, s23, $0xb8;
	[tilespmem:$0x1EF00] =	vst v63  }
0xc9: {  	_ =	swait.ge [sflag:s21], $0x1000  }
0xca: {  	[sflag:s21] =	ssyncset.done $0x0  }
0xcb: {  	[sflag:s21] =	ssyncadd.s32 $0xFFFFF000  }
0xcc: {  	_ =	swait.ge [sflag:s7], $0x1000  }
0xcd: {  	[sflag:s7] =	ssyncset.done $0x0  }
0xce: {  	s10 =	simm.s32 $0x4E60;
	[sflag:s7] =	ssyncadd.s32 $0xFFFFF000  }
0xcf: {  	[spmem:s3] =	stream.indirect.scatter.add.f32 [tilespmem:s22], [sflag:$0x7], $0x80, s10, s23, $0xb8;
	[tilespmem:$0x1EF00] =	vst v63  }
0xd0: {  	_ =	swait.ge [sflag:s21], $0x1000  }
0xd1: {  	[sflag:s21] =	ssyncset.done $0x0  }
0xd2: {  	[sflag:s21] =	ssyncadd.s32 $0xFFFFF000  }
0xd3: {  	_ =	swait.ge [sflag:s26], $0x1000  }
0xd4: {  	[sflag:s26] =	ssyncset.done $0x0  }
0xd5: {  	s11 =	simm.s32 $0x4E80;
	[sflag:s26] =	ssyncadd.s32 $0xFFFFF000  }
0xd6: {  	[spmem:s3] =	stream.indirect.scatter.add.f32 [tilespmem:s24], [sflag:$0x7], $0x80, s11, s23, $0xb8;
	[tilespmem:$0x1EF00] =	vst v63  }
0xd7: {  	_ =	swait.ge [sflag:s21], $0x1000  }
0xd8: {  	[sflag:s21] =	ssyncset.done $0x0  }
0xd9: {  	[sflag:s21] =	ssyncadd.s32 $0xFFFFF000  }
0xda: {  	_ =	swait.ge [sflag:s29], $0x1000  }
0xdb: {  	[sflag:s29] =	ssyncset.done $0x0  }
0xdc: {  	s10 =	simm.s32 $0x4EA0;
	[sflag:s29] =	ssyncadd.s32 $0xFFFFF000  }
0xdd: {  	[spmem:s3] =	stream.indirect.scatter.add.f32 [tilespmem:s25], [sflag:$0x7], $0x80, s10, s23, $0xb8;
	[tilespmem:$0x1EF00] =	vst v63  }
0xde: {  	_ =	swait.ge [sflag:s21], $0x1000  }
0xdf: {  	[sflag:s21] =	ssyncset.done $0x0  }
0xe0: {  	[sflag:s21] =	ssyncadd.s32 $0xFFFFF000  }
0xe1: {  	_ =	swait.ge [sflag:s1], $0x1000  }
0xe2: {  	[sflag:s1] =	ssyncset.done $0x0  }
0xe3: {  	s11 =	simm.s32 $0x4EC0;
	[sflag:s1] =	ssyncadd.s32 $0xFFFFF000  }
0xe4: {  	[spmem:s3] =	stream.indirect.scatter.add.f32 [tilespmem:s28], [sflag:$0x7], $0x80, s11, s23, $0xb8;
	[tilespmem:$0x1EF00] =	vst v63  }
0xe5: {  	_ =	swait.ge [sflag:s21], $0x1000  }
0xe6: {  	[sflag:s21] =	ssyncset.done $0x0  }
0xe7: {  	[sflag:s21] =	ssyncadd.s32 $0xFFFFF000  }
0xe8: {  	_ =	swait.ge [sflag:s0], $0x1000  }
0xe9: {  	[sflag:s0] =	ssyncset.done $0x0  }
0xea: {  	s10 =	simm.s32 $0x4EE0;
	[sflag:s0] =	ssyncadd.s32 $0xFFFFF000  }
0xeb: {  	[spmem:s3] =	stream.indirect.scatter.add.f32 [tilespmem:s30], [sflag:$0x7], $0x80, s10, s23, $0xb8;
	[tilespmem:$0x1EF00] =	vst v63  }
0xec: {  	_ =	swait.ge [sflag:s21], $0x1000  }
0xed: {  	s11 =	stileid.u32;
	[sflag:s21] =	ssyncset.done $0x0  }
0xee: {  	s8 =	sadd.s32 $0x1, s8;
	s9 =	sshll.u32 s11, $0x6;
	[sflag:s21] =	ssyncadd.s32 $0xFFFFF000  }
0xef: {  	p3 =	sne.s32 s8, s12;
	s9 =	sor.u32 $0x1C07, s9;
	[bflag:$0x0] =	sbarrier.arrive $0xFFFF  }
.Ltmp1:
0xf0: {  	s10 =	sshrl.u32 s6, $0x3;
	s11 =	rddreg [dreg:$0x8];
	(pc) =	sbr.rel @p3 .LBB2_1-.Ltmp1, $4  }
0xf1: {  	[hbm:s11], [sflag:s9] =	dma.local [spmem:s10], $0x2800  }
0xf2: {  	_ =	swait.ge [sflag:s21], $0x2800  }
0xf3: {  	[sflag:s21] =	ssyncset.done $0x0  }
0xf4: {  	[sflag:s21] =	ssyncadd.s32 $0xFFFFD800  }
0xf5: {  	_ =	sfence.sel $0x180000  }
0xf6: {  	[bflag:$0x0] =	sbarrier.arrive $0xFFFF  }
0xf7: {  	_ =	strace $0x9000004A  }
0xf8: {  	s0 =	stileid.u32;
	[bflag:$0x2] =	sbarrier.arrive $0xFFFF  }
0xf9: {  	p0 =	sne.s32 s0, $0x0;
	s0 =	rddreg [dreg:$0x3]  }
0xfa: {  	s0 =	sadd.s32 @!p0 $0x100000, s0  }
0xfb: {  	[sflag:s0] =	ssyncadd.tile.s32 @!p0 $0x1;
	_ =	shalt  }
.Lfunc_end2:
_tile_overlayer_lowered:
.L_overlay_start_2:
0xfc: {  	(tag) =	ssettag $0x2  }
0xfd: {  	s0 =	rddreg [dreg:$0x0];
	s2 =	stileid.u32  }
0xfe: {  	s1 =	rddreg [dreg:$0x1];
	p0 =	sne.s32 s2, $0x0  }
0xff: {  	s3 =	rddreg [dreg:$0x2];
	[bflag:$0x3] =	sbarrier.arrive $0xFFFF;
	s2 =	simm.s32 @!p0 $0x1C07  }
0x100: {  	[timem:s3], [sflag:s2] =	dma.local @!p0 [hbm:s0], s1  }
0x101: {  	s0 =	simm.s32 @!p0 $0x7  }
0x102: {  	_ =	swait.ge @!p0 [sflag:s0], s1  }
0x103: {  	s1 =	ssub.s32 @!p0 $0x0, s1;
	[sflag:s0] =	ssyncset.done @!p0 $0x0  }
0x104: {  	[sflag:s0] =	ssyncadd.s32 @!p0 s1  }
0x105: {  	[bflag:$0x3] =	sbarrier.arrive $0xFFFF  }
0x106: {  	_ =	shalt  }

// kernel: kernel.7.cloned.1.call-start
scs
__scs_entry_jumppad:
0x0: {  	(pc) =	sbr.rel $0x88, $3  }
0x1: {  	(tag) =	ssettag $0x0;
	lr =	simm.s32 $0x1  }
0x2: {  	[smem:$0x3F9B] =	sst lr;
	_ =	strace $0xD0000000  }
0x3: {  	_ = 	snop  }
0x4: {  	_ = 	snop  }
0x5: {  	_ = 	snop  }
0x6: {  	_ = 	snop  }
0x7: {  	_ = 	snop  }
__scs_overlays_trampoline_lowered:
0x8: {  	[smem:$0x3FAA] =	sst s0  }
0x9: {  	[smem:$0x3FAB] =	sst s1  }
0xa: {  	[smem:$0x3FAC] =	sst s2  }
0xb: {  	[smem:$0x3FAD] =	sst s3  }
0xc: {  	[smem:$0x3FAE] =	sst s4  }
0xd: {  	[smem:$0x3FAF] =	sst s5  }
0xe: {  	[smem:$0x3FB0] =	sst s6  }
0xf: {  	[smem:$0x3FB1] =	sst s7  }
0x10: {  	[smem:$0x3FB2] =	sst s8  }
0x11: {  	[smem:$0x3FB3] =	sst s9;
	s0 =	simm.s32 @!p0 $0x0  }
0x12: {  	s1 =	sld [smem:$0x3F99];
	s0 =	simm.s32 @p0 $0x1  }
0x13: {  	[smem:$0x3FB4] =	sst s0;
	s0 =	simm.s32 @!p1 $0x0  }
0x14: {  	s2 =	sld [smem:$0x3F98];
	s0 =	simm.s32 @p1 $0x1  }
0x15: {  	[smem:$0x3FB5] =	sst s0;
	s0 =	simm.s32 @!p2 $0x0  }
0x16: {  	s3 =	sld [smem:$0x3FDB];
	s0 =	simm.s32 @p2 $0x1  }
0x17: {  	s4 =	simm.s32 $0x1BF5;
	[smem:$0x3FB7] =	sst s0  }
0x18: {  	s0 =	sld [smem:$0x3F9A];
	_ =	swait.ge [sflag:s4], $0x0  }
0x19: {  	s7 =	sld [smem:$0x3F9B]  }
0x1a: {  	s8 =	sadd.s32 $0xFFFFE003, lr  }
0x1b: {  	s9 =	sadd.s32 $0xFFFFFEF7, lr;
	s5 =	simm.s32 $0xFFFFFFFF;
	p2 =	slt.u32 s8, $0xFFFFF086  }
0x1c: {  	p1 =	slt.u32 s9, $0xF7A;
	s5 =	simm.s32 @!p2 $0x0  }
0x1d: {  	s5 =	simm.s32 @p1 $0x1;
	p0 =	seq.s32 s7, s2  }
0x1e: {  	s7 =	smul.u32 @!p0 $0xF7A, s2;
	p2 =	seq.s32 @!p0 s5, $0x0  }
0x1f: {  	s9 =	smul.u32 $0xF7A, s1;
	s8 =	simm.s32 @!p0 $0x1BF5;
	p2 =	por !p2, p0  }
0x20: {  	[sflag:s8] =	ssyncset.s32 @!p0 $0xFFFFF086;
	s6 =	sadd.s32 @!p0 s3, s7;
	s7 =	simm.s32 @!p0 $0x108  }
0x21: {  	s3 =	sadd.s32 s3, s9;
	s6 =	sadd.s32 @!p0 $0x88, s6;
	s7 =	simm.s32 @p2 $0x1082  }
0x22: {  	[simem:s7], [sflag:s8] =	dma.local @!p0 [hbm:s6], $0xF7A  }
0x23: {  	s9 =	sor.u32 $0xD0000000, s2;
	s6 =	simm.s32 $0x108;
	_ =	swait.ge @!p0 [sflag:s8], $0x0  }
0x24: {  	s3 =	sadd.s32 $0x88, s3;
	s6 =	simm.s32 @!p1 $0x1082;
	[sflag:s4] =	ssyncset.s32 $0xFFFFF086  }
0x25: {  	[simem:s6], [sflag:s4] =	dma.local [hbm:s3], $0xF7A  }
0x26: {  	[smem:$0x3F9B] =	sst s1;
	(tag) =	ssettag s2;
	_ =	strace s9  }
0x27: {  	s1 =	sld [smem:$0x3FAB]  }
0x28: {  	s2 =	sld [smem:$0x3FAC]  }
0x29: {  	s4 =	sld [smem:$0x3FAE]  }
0x2a: {  	p0 =	seq.s32 s5, $0x0;
	s5 =	sld [smem:$0x3FAF]  }
0x2b: {  	s6 =	sld [smem:$0x3FB0]  }
0x2c: {  	s7 =	sld [smem:$0x3FB1]  }
0x2d: {  	s3 =	simm.s32 $0x108;
	s8 =	sld [smem:$0x3FB2]  }
0x2e: {  	s3 =	simm.s32 @!p0 $0x1082;
	s9 =	sld [smem:$0x3FB3]  }
0x2f: {  	lr =	sadd.s32 s0, s3;
	s0 =	sld [smem:$0x3FAA]  }
0x30: {  	s3 =	sld [smem:$0x3FAD]  }
0x31: {  	[smem:$0x3FB6] =	sst s10  }
0x32: {  	s10 =	sld [smem:$0x3FB4];
	_ =	sdelay $0x3  }
0x33: {  	p0 =	seq.s32 s10, $0x1;
	s10 =	sld [smem:$0x3FB6];
	_ =	sdelay $0x3  }
0x34: {  	[smem:$0x3FB6] =	sst s10  }
0x35: {  	s10 =	sld [smem:$0x3FB5];
	_ =	sdelay $0x3  }
0x36: {  	p1 =	seq.s32 s10, $0x1;
	s10 =	sld [smem:$0x3FB6];
	_ =	sdelay $0x3  }
0x37: {  	[smem:$0x3FB6] =	sst s10  }
0x38: {  	s10 =	sld [smem:$0x3FB7]  }
0x39: {  	_ = 	snop;
	(pc) =	sbr.ind lr, $3  }
0x3a: {  	_ = 	snop  }
0x3b: {  	_ = 	snop  }
0x3c: {  	p2 =	seq.s32 s10, $0x1;
	s10 =	sld [smem:$0x3FB6]  }
0x3d: {  	_ =	shalt  }
0x3e: {  	_ =	shalt  }
0x3f: {  	_ =	shalt  }
0x40: {  	_ =	shalt  }
0x41: {  	_ =	shalt  }
0x42: {  	_ =	shalt  }
0x43: {  	_ =	shalt  }
0x44: {  	_ =	shalt  }
0x45: {  	_ =	shalt  }
0x46: {  	_ =	shalt  }
0x47: {  	_ =	shalt  }
0x48: {  	_ =	shalt  }
0x49: {  	_ =	shalt  }
0x4a: {  	_ =	shalt  }
0x4b: {  	_ =	shalt  }
0x4c: {  	_ =	shalt  }
0x4d: {  	_ =	shalt  }
0x4e: {  	_ =	shalt  }
0x4f: {  	_ =	shalt  }
0x50: {  	_ =	shalt  }
0x51: {  	_ =	shalt  }
0x52: {  	_ =	shalt  }
0x53: {  	_ =	shalt  }
0x54: {  	_ =	shalt  }
0x55: {  	_ =	shalt  }
0x56: {  	_ =	shalt  }
0x57: {  	_ =	shalt  }
0x58: {  	_ =	shalt  }
0x59: {  	_ =	shalt  }
0x5a: {  	_ =	shalt  }
0x5b: {  	_ =	shalt  }
0x5c: {  	_ =	shalt  }
0x5d: {  	_ =	shalt  }
0x5e: {  	_ =	shalt  }
0x5f: {  	_ =	shalt  }
0x60: {  	_ =	shalt  }
0x61: {  	_ =	shalt  }
0x62: {  	_ =	shalt  }
0x63: {  	_ =	shalt  }
0x64: {  	_ =	shalt  }
0x65: {  	_ =	shalt  }
0x66: {  	_ =	shalt  }
0x67: {  	_ =	shalt  }
0x68: {  	_ =	shalt  }
0x69: {  	_ =	shalt  }
0x6a: {  	_ =	shalt  }
0x6b: {  	_ =	shalt  }
0x6c: {  	_ =	shalt  }
0x6d: {  	_ =	shalt  }
0x6e: {  	_ =	shalt  }
0x6f: {  	_ =	shalt  }
0x70: {  	_ =	shalt  }
0x71: {  	_ =	shalt  }
0x72: {  	_ =	shalt  }
0x73: {  	_ =	shalt  }
0x74: {  	_ =	shalt  }
0x75: {  	_ =	shalt  }
0x76: {  	_ =	shalt  }
0x77: {  	_ =	shalt  }
0x78: {  	_ =	shalt  }
0x79: {  	_ =	shalt  }
0x7a: {  	_ =	shalt  }
0x7b: {  	_ =	shalt  }
0x7c: {  	_ =	shalt  }
0x7d: {  	_ =	shalt  }
0x7e: {  	_ =	shalt  }
0x7f: {  	_ =	shalt  }
0x80: {  	_ =	shalt  }
0x81: {  	_ =	shalt  }
0x82: {  	_ =	shalt  }
0x83: {  	_ =	shalt  }
0x84: {  	_ =	shalt  }
0x85: {  	_ =	shalt  }
0x86: {  	_ =	shalt  }
0x87: {  	_ =	shalt  }
.Lfunc_end0:
.L_simem_size_0:
called_computation_lowered:
.L_overlay_start_0:
0x88: {  	s2 =	sld [smem:$0x3FD9]  }
0x89: {  	s3 =	sld [smem:$0x3FFE];
	_ =	sdelay $0x1  }
0x8a: {  	s1 =	srdreg.scid  }
0x8b: {  	s0 =	sand.u32 $0x1, s1  }
0x8c: {  	s17 =	sshll.u32 s0, $0xA;
	s2 =	sadd.s32 s3, s2  }
0x8d: {  	s2 =	sadd.s32 s2, s17  }
0x8e: {  	[smem:$0x3FC2] =	sst s2  }
0x8f: {  	_ = 	snop  }
0x90: {  	s2 =	sld [smem:$0x3FD0];
	(tm) =	ssettm $0x1  }
0x91: {  	s18 =	sld [smem:$0x3FFB];
	_ =	sdelay $0x3  }
0x92: {  	_ =	strace s18  }
0x93: {  	s3 =	sld [smem:$0x3FFC];
	_ =	sdelay $0x3  }
0x94: {  	_ =	strace s3  }
0x95: {  	s3 =	sld [smem:$0x3FFD];
	_ =	sdelay $0x3  }
0x96: {  	_ =	strace s3  }
0x97: {  	_ =	strace $0x8FFFFFFF  }
0x98: {  	s19 =	sld [smem:$0x3FDB];
	_ =	sdelay $0x1  }
0x99: {  	s4 =	simm.s32 $_scs_section_size  }
0x9a: {  	s5 =	simm.s32 $_size__tile_overlayer_lowered;
	s6 =	simm.s32 $_tile_overlayer_lowered  }
0x9b: {  	s22 =	simm.s32 $0x1BFF;
	s21 =	sshll.u32 s6, $0x1;
	s3 =	sadd.s32 s4, s19  }
0x9c: {  	s7 =	simm.s32 $0x0;
	s20 =	sshll.u32 s5, $0x1;
	s5 =	sadd.s32 s21, s3  }
0x9d: {  	[timem:s7], [sflag:s22] =	dma.local [hbm:s5], s20  }
0x9e: {  	_ =	swait.ge [sflag:s22], s20  }
0x9f: {  	s4 =	ssub.s32 $0x0, s20;
	[sflag:s22] =	ssyncset.done $0x0  }
0xa0: {  	[sflag:s22] =	ssyncadd.s32 s4;
	_ =	sdelay $0x1  }
0xa1: {  	s23 =	simm.s32 $0x1B8B  }
0xa2: {  	_ =	swait.ge [sflag:s23], $0x1  }
0xa3: {  	[sflag:s23] =	ssyncset.done $0x0  }
0xa4: {  	s25 =	simm.s32 $0x1B8E;
	s24 =	sld [smem:$0x3FFE];
	[sflag:s23] =	ssyncadd.s32 $0xFFFFFFFF  }
0xa5: {  	s26 =	simm.s32 $execute0_lowered;
	[smem:$0x3FD2] =	sst s25  }
0xa6: {  	s5 =	sshll.u32 s26, $0x1;
	_ =	strace $0x80000046;
	[dreg:$0x1] =	wrdreg $0xFFFFFFFF  }
0xa7: {  	s28 =	simm.s32 $_size_execute0_lowered;
	s3 =	sadd.s32 s3, s5;
	[dreg:$0x0] =	wrdreg $0x0  }
0xa8: {  	s5 =	sshll.u32 s28, $0x1;
	[dreg:$0x2] =	wrdreg s3  }
0xa9: {  	[dreg:$0x3] =	wrdreg s5  }
0xaa: {  	[dreg:$0x4] =	wrdreg $0xC0  }
0xab: {  	_ =	task [dreg:s7], $0x5FFFF  }
0xac: {  	[dreg:$0x1] =	wrdreg $0xFFFFFFFF  }
0xad: {  	[dreg:$0x0] =	wrdreg $0x60  }
0xae: {  	[dreg:$0x2] =	wrdreg s24  }
0xaf: {  	[dreg:$0x3] =	wrdreg s2  }
0xb0: {  	[dreg:$0x4] =	wrdreg $0x28000  }
0xb1: {  	[dreg:$0x5] =	wrdreg $0x9  }
0xb2: {  	_ =	task.clear_ibuf [dreg:s7], $0x6FFFF;
	_ =	strace $0x90000046  }
0xb3: {  	s29 =	simm.s32 $0x9;
	_ =	strace $0x80000048  }
0xb4: {  	_ =	swait.ge [sflag:s29], $0x1  }
0xb5: {  	[sflag:s29] =	ssyncadd.s32 $0xFFFFFFFF  }
0xb6: {  	_ =	strace $0x90000048  }
0xb7: {  	_ =	sfence  }
0xb8: {  	s30 =	sld [smem:$0x0];
	_ =	sdelay $0x2  }
0xb9: {  	s31 =	sshll.u32 s1, $0xD;
	s1 =	sshrl.u32 s1, $0x2  }
0xba: {  	s3 =	sand.u32 $0x4000, s31;
	s1 =	sadd.s32 s1, s30  }
0xbb: {  	s0 =	sor.u32 s3, s0;
	s1 =	sshll.u32 s1, $0x11  }
0xbc: {  	s0 =	sor.u32 s1, s0  }
0xbd: {  	s0 =	sadd.s32 $0x8F2B, s0  }
0xbe: {  	[sflag:s0] =	ssyncadd.remote.s32 $0x1  }
0xbf: {  	_ =	sfence.sel $0xFFFF  }
0xc0: {  	[dreg:$0x0] =	wrdreg $0xFFFFFFFF;
	(pc) =	sbr.abs _section_cstart, $3  }
0xc1: {  	[dreg:$0x1] =	wrdreg $0xFFFFFFFF  }
0xc2: {  	_ =	task.clear_ibuf [dreg:s7], $0x2FFFF;
	_ =	strace $0x9FFFFFFF  }
0xc3: {  	(tm) =	ssettm $0x7FFFFFFF  }
tec
execute0_lowered:
.L_overlay_start_1:
0x0: {  	(tag) =	ssettag $0x1  }
0x1: {  	s4 =	rddreg [dreg:$0x0]  }
0x2: {  	s7 =	rddreg [dreg:$0x1]  }
0x3: {  	s0 =	srdreg.scid;
	s2 =	rddreg [dreg:$0x2]  }
0x4: {  	s1 =	rddreg [dreg:$0x3];
	s12 =	simm.s32 $0x2780;
	s13 =	simm.s32 $0x1  }
0x5: {  	s16 =	simm.s32 $0x10;
	s5 =	sand.u32 $0x1, s0;
	s0 =	stileid.u32  }
0x6: {  	s17 =	simm.s32 $0x0;
	s8 =	sshll.u32 s5, $0x4;
	s9 =	sshll.u32 s0, $0x7  }
0x7: {  	s10 =	smul.u32 $0x280, s0;
	s5 =	ssub.s32 $0x2, s5;
	s31 =	sshll.u32 s0, $0x6  }
0x8: {  	s15 =	smul.u32 $0xA0, s0;
	s3 =	sor.u32 s0, s8;
	s9 =	sand.u32 $0x380, s9  }
0x9: {  	s11 =	sshrl.u32 s5, $0x1;
	s14 =	sadd.s32 s7, s8;
	s6 =	sshrl.u32 s3, $0x3  }
0xa: {  	s3 =	simm.s32 $0x0;
	s29 =	sshrl.u32 s10, $0x3;
	s30 =	ssub.s32 s5, s11  }
0xb: {  	s10 =	sadd.s32 s10, s2;
	s5 =	sor.u32 $0x1C02, s31;
	s6 =	smul.u32 $0x13C00, s6  }
0xc: {  	s11 =	simm.s32 $0x400;
	s14 =	sadd.s32 s15, s14;
	s15 =	simm.s32 $0x20  }
0xd: {  	[smem:$0x7FF] =	sst s3;
	s7 =	smax.u32 s30, $0x1;
	s6 =	sor.u32 s9, s6  }
0xe: {  	s8 =	sshrl.u32 s10, $0x3;
	s10 =	simm.s32 $0x80;
	s6 =	sshrl.u32 s6, $0x3  }
0xf: {  	_ =	strace $0x80000047;
	s6 =	sadd.s32 s6, s4;
	s4 =	sadd.s32 s29, s4  }
0x10: {  	v0 =	vimm.f32 $1.000000000e+00;
	s9 =	simm.s32 $0x2;
	s4 =	sadd.s32 $0xB000, s4;
	s6 =	sadd.s32 $0x1200, s6  }
.LBB2_1:
0x11: {  	[spmem:s8], [sflag:s5] =	dma.local [hbm:s4], $0x50  }
0x12: {  	_ =	swait.ge [sflag:s9], $0x50  }
0x13: {  	[sflag:s9] =	ssyncset.done $0x0  }
0x14: {  	[sflag:s9] =	ssyncadd.s32 $0xFFFFFFB0  }
0x15: {  	[tilespmem:s3], [sflag:$0x2] =	stream.strided.gather [hbm4b:s6+s10], $0x2780, s11, s10, $0x38;
	[tilespmem:$0x2A80] =	vst v63  }
0x16: {  	_ =	swait.ge [sflag:s9], $0x2780  }
0x17: {  	[sflag:s9] =	ssyncset.done $0x0  }
0x18: {  	[sflag:s9] =	ssyncadd.s32 $0xFFFFD880  }
0x19: {  	[tilespmem:$0x2780] =	vst v0  }
0x1a: {  	[tilespmem:$0x2790] =	vst v0  }
0x1b: {  	[tilespmem:$0x27A0] =	vst v0  }
0x1c: {  	[tilespmem:$0x27B0] =	vst v0  }
0x1d: {  	[tilespmem:$0x27C0] =	vst v0  }
0x1e: {  	[tilespmem:$0x27D0] =	vst v0  }
0x1f: {  	[tilespmem:$0x27E0] =	vst v0  }
0x20: {  	p0 =	por $0x1, $0x1;
	[tilespmem:$0x27F0] =	vst v0  }
0x21: {  	s20 =	simm.s32 @!p0 $0x1;
	[bflag:$0x0] =	sbarrier.arrive $0xFFFF  }
0x22: {  	[spmem:s2] =	stream.indirect.scatter.add.f32 [tilespmem:s12], [sflag:$0x1], $0x1, s3, s10, $0xb8;
	[tilespmem:$0x2A80] =	vst v63  }
0x23: {  	_ =	swait.ge @!p0 [sflag:s20], $0x80  }
0x24: {  	s18 =	simm.s32 $0x1;
	s19 =	simm.s32 $0x0;
	[sflag:s20] =	ssyncset.done @!p0 $0x0  }
.LBB2_2:
0x25: {  	[sflag:s20] =	ssyncadd.s32 @!p0 $0xFFFFFF80  }
0x26: {  	s19 =	sadd.s32 $0x80, s19;
	s20 =	smov.u32 s18;
	s18 =	sadd.s32 $0x1, s18  }
0x27: {  	p1 =	sne.s32 s18, $0x4F  }
0x28: {  	[spmem:s2] =	stream.indirect.scatter.add.f32 [tilespmem:s12], [sflag:$0x1], $0x1, s19, s10, $0xb8;
	[tilespmem:$0x2A80] =	vst v63  }
.Ltmp0:
0x29: {  	_ = 	snop;
	(pc) =	sbr.rel @p1 .LBB2_2-.Ltmp0, $4  }
0x2a: {  	p0 =	slt.u32 s20, $0x8  }
0x2b: {  	s20 =	simm.s32 @!p0 $0x1  }
0x2c: {  	_ =	swait.ge @!p0 [sflag:s20], $0x80  }
0x2d: {  	[sflag:s20] =	ssyncset.done @!p0 $0x0  }
0x2e: {  	[sflag:s20] =	ssyncadd.s32 @!p0 $0xFFFFFF80  }
0x2f: {  	_ =	swait.ge [sflag:s13], $0x80  }
0x30: {  	[sflag:s13] =	ssyncset.done $0x0  }
0x31: {  	[sflag:s13] =	ssyncadd.s32 $0xFFFFFF80  }
0x32: {  	_ =	swait.ge [sflag:s13], $0x80  }
0x33: {  	[sflag:s13] =	ssyncset.done $0x0  }
0x34: {  	[sflag:s13] =	ssyncadd.s32 $0xFFFFFF80  }
0x35: {  	_ =	swait.ge [sflag:s13], $0x80  }
0x36: {  	[sflag:s13] =	ssyncset.done $0x0  }
0x37: {  	[sflag:s13] =	ssyncadd.s32 $0xFFFFFF80  }
0x38: {  	_ =	swait.ge [sflag:s13], $0x80  }
0x39: {  	[sflag:s13] =	ssyncset.done $0x0  }
0x3a: {  	[sflag:s13] =	ssyncadd.s32 $0xFFFFFF80  }
0x3b: {  	_ =	swait.ge [sflag:s13], $0x80  }
0x3c: {  	[sflag:s13] =	ssyncset.done $0x0  }
0x3d: {  	[sflag:s13] =	ssyncadd.s32 $0xFFFFFF80  }
0x3e: {  	_ =	swait.ge [sflag:s13], $0x80  }
0x3f: {  	[sflag:s13] =	ssyncset.done $0x0  }
0x40: {  	[sflag:s13] =	ssyncadd.s32 $0xFFFFFF80  }
0x41: {  	_ =	swait.ge [sflag:s13], $0x80  }
0x42: {  	[sflag:s13] =	ssyncset.done $0x0  }
0x43: {  	[sflag:s13] =	ssyncadd.s32 $0xFFFFFF80  }
0x44: {  	_ =	swait.ge [sflag:s13], $0x80  }
0x45: {  	s17 =	sadd.s32 $0x1, s17;
	[sflag:s13] =	ssyncset.done $0x0  }
0x46: {  	p0 =	sne.s32 s17, s7;
	[sflag:s13] =	ssyncadd.s32 $0xFFFFFF80  }
.Ltmp1:
0x47: {  	[bflag:$0x0] =	sbarrier.arrive $0xFFFF;
	(pc) =	sbr.rel @p0 .LBB2_1-.Ltmp1, $4  }
0x48: {  	[hbm:s14@s15], [sflag:s5] =	dma.strided [spmem:s8@s16], $0x50, s13, $0x10   }
0x49: {  	_ =	swait.ge [sflag:s9], $0x50  }
0x4a: {  	[sflag:s9] =	ssyncset.done $0x0  }
0x4b: {  	[sflag:s9] =	ssyncadd.s32 $0xFFFFFFB0  }
0x4c: {  	_ =	sfence.sel $0x180000  }
0x4d: {  	[bflag:$0x0] =	sbarrier.arrive $0xFFFF  }
0x4e: {  	p0 =	sne.s32 s0, $0x0;
	_ =	strace $0x90000047  }
0x4f: {  	s0 =	sadd.s32 @!p0 $0x100000, s1;
	[bflag:$0x2] =	sbarrier.arrive $0xFFFF  }
0x50: {  	[sflag:s0] =	ssyncadd.tile.s32 @!p0 $0x1;
	_ =	shalt  }
.Lfunc_end2:
_tile_overlayer_lowered:
.L_overlay_start_2:
0x51: {  	(tag) =	ssettag $0x2  }
0x52: {  	s0 =	rddreg [dreg:$0x0];
	s2 =	stileid.u32  }
0x53: {  	s1 =	rddreg [dreg:$0x1];
	p0 =	sne.s32 s2, $0x0  }
0x54: {  	s3 =	rddreg [dreg:$0x2];
	[bflag:$0x3] =	sbarrier.arrive $0xFFFF;
	s2 =	simm.s32 @!p0 $0x1C02  }
0x55: {  	[timem:s3], [sflag:s2] =	dma.local @!p0 [hbm:s0], s1  }
0x56: {  	s0 =	simm.s32 @!p0 $0x2  }
0x57: {  	_ =	swait.ge @!p0 [sflag:s0], s1  }
0x58: {  	s1 =	ssub.s32 @!p0 $0x0, s1;
	[sflag:s0] =	ssyncset.done @!p0 $0x0  }
0x59: {  	[sflag:s0] =	ssyncadd.s32 @!p0 s1  }
0x5a: {  	[bflag:$0x3] =	sbarrier.arrive $0xFFFF  }
0x5b: {  	_ =	shalt  }

</sc_bundles>
